<compile_context>
chip_gen: v7x
topology: tpu7x:2x2x1
jax: 0.10.2.dev20260603
libtpu: 0.0.44.dev20260713+nightly
codegen_flags: <defaults>
</compile_context>

<pallas_src>
import functools

import jax
import jax.numpy as jnp
from jax import lax
from jax.experimental import pallas as pl
from jax.experimental.pallas import tpu as pltpu
from jax.experimental.pallas import tpu_sc as plsc

_BR = 512


def _vq_body(zz_ref, ee_ref, z_ref, e_ref,
             idx_ref, stats_ref,
             acc_ref, sq_ref):
    i = pl.program_id(0)
    nsteps = pl.num_programs(0)
    K = e_ref.shape[0]
    btot = nsteps * z_ref.shape[0]

    zb = z_ref[...]
    e = e_ref[...]
    zzb = zz_ref[...]
    ee = ee_ref[...]

    dots = lax.dot_general(zb, e, (((1,), (1,)), ((), ())),
                           preferred_element_type=jnp.float32)
    d = zzb + ee[None, :] - 2.0 * dots

    colf = lax.broadcasted_iota(jnp.int32, (1, K), 1).astype(jnp.float32)
    dmin = jnp.min(d, axis=1, keepdims=True)
    idxf = jnp.min(jnp.where(d == dmin, colf, jnp.float32(K)),
                   axis=1, keepdims=True)
    idx2 = idxf.astype(jnp.int32)

    p = jnp.exp(dmin - d)
    s1 = jnp.sum(p, axis=1)
    srow = (1.0 / s1)[None, :]
    soft_sum = lax.dot_general(srow, p, (((1,), (0,)), ((), ())),
                               preferred_element_type=jnp.float32)
    sq_c = jnp.sum(dmin)

    @pl.when(i == 0)
    def _init():
        acc_ref[...] = soft_sum
        sq_ref[0] = sq_c

    @pl.when(i > 0)
    def _accum():
        acc_ref[...] += soft_sum
        sq_ref[0] += sq_c

    idx_ref[...] = idx2[:, 0]

    @pl.when(i == nsteps - 1)
    def _finalize():
        avg = acc_ref[...] / btot
        ent = -jnp.sum(avg * jnp.log(avg + 1e-10))
        div = jnp.log(jnp.float32(K)) - ent
        sqm = sq_ref[0] / (btot * z_ref.shape[1])
        stats_ref[0] = sqm * 0.25 + sqm + 0.1 * div
        stats_ref[1] = div


def _vq_main(z, embedding, zz, ee, interpret=False):
    B, D = z.shape
    K = embedding.shape[0]
    grid = (B // _BR,)
    return pl.pallas_call(
        _vq_body,
        grid=grid,
        in_specs=[
            pl.BlockSpec((_BR, 1), lambda i: (i, 0)),
            pl.BlockSpec((K,), lambda i: (0,)),
            pl.BlockSpec((_BR, D), lambda i: (i, 0)),
            pl.BlockSpec((K, D), lambda i: (0, 0)),
        ],
        out_specs=[
            pl.BlockSpec((_BR,), lambda i: (i,)),
            pl.BlockSpec(memory_space=pltpu.SMEM),
        ],
        out_shape=[
            jax.ShapeDtypeStruct((B,), jnp.int32),
            jax.ShapeDtypeStruct((8,), jnp.float32),
        ],
        scratch_shapes=[
            pltpu.VMEM((1, K), jnp.float32),
            pltpu.SMEM((1,), jnp.float32),
        ],
        compiler_params=pltpu.CompilerParams(
            vmem_limit_bytes=110 * 1024 * 1024),
        interpret=interpret,
    )(zz, ee, z, embedding)


_NBIN_ROWS = 2


def _sc_gather_hist(emb_pad, idx2d, B, K):
    info = plsc.get_sparse_core_info()
    NC, NS = info.num_cores, info.num_subcores
    NW = NC * NS
    nrows = idx2d.shape[0]
    rows_per_w = nrows // NW
    CHUNK = idx2d.shape[1]
    L = info.num_lanes

    @functools.partial(
        pl.kernel,
        mesh=plsc.VectorSubcoreMesh(core_axis_name="c", subcore_axis_name="s"),
        out_type=[
            jax.ShapeDtypeStruct((B, 128), jnp.float32),
            jax.ShapeDtypeStruct((NW * K,), jnp.float32),
        ],
        scratch_types=[
            pltpu.VMEM((rows_per_w, CHUNK), jnp.int32),
            pltpu.VMEM((CHUNK, 128), jnp.float32),
            pltpu.VMEM((_NBIN_ROWS * K,), jnp.float32),
            pltpu.SemaphoreType.DMA,
        ],
        compiler_params=pltpu.CompilerParams(needs_layout_passes=False),
    )
    def gather(table_hbm, idx_hbm, out_hbm, hist_hbm, idx_v, rows_v, bins_v,
               sem):
        wid = lax.axis_index("s") * NC + lax.axis_index("c")
        pltpu.sync_copy(idx_hbm.at[pl.ds(wid * rows_per_w, rows_per_w)], idx_v)

        cp = pltpu.async_copy(table_hbm.at[idx_v.at[0]], rows_v, sem)

        zeros16 = jnp.zeros((L,), jnp.float32)
        UNROLL = 8

        def _zero(c, carry):
            for u in range(UNROLL):
                bins_v[pl.ds((c * UNROLL + u) * L, L)] = zeros16
            return carry

        lax.fori_loop(0, _NBIN_ROWS * K // L // UNROLL, _zero, 0)

        for j in range(rows_per_w):
            cp.wait()
            pltpu.sync_copy(
                rows_v,
                out_hbm.at[pl.ds((wid * rows_per_w + j) * CHUNK, CHUNK)])
            if j + 1 < rows_per_w:
                cp = pltpu.async_copy(table_hbm.at[idx_v.at[j + 1]], rows_v,
                                      sem)

        lane = lax.iota(jnp.int32, L)
        base16 = jnp.bitwise_and(lane, _NBIN_ROWS - 1) * K
        ones16 = jnp.ones((L,), jnp.float32)
        group = lax.shift_right_logical(lane, 1)
        masks = [group == q for q in range(L // _NBIN_ROWS)]
        for j in range(rows_per_w):
            for g in range(CHUNK // L):
                idx16 = idx_v[j, pl.ds(g * L, L)] + base16
                for m in masks:
                    plsc.addupdate_scatter(bins_v, [idx16], ones16, mask=m)

        def _fold(c, carry):
            for u in range(UNROLL):
                off = (c * UNROLL + u) * L
                bins_v[pl.ds(off, L)] = (bins_v[pl.ds(off, L)]
                                         + bins_v[pl.ds(K + off, L)])
            return carry

        lax.fori_loop(0, K // L // UNROLL, _fold, 0)
        pltpu.sync_copy(bins_v.at[pl.ds(0, K)], hist_hbm.at[pl.ds(wid * K, K)])

    return gather(emb_pad, idx2d)


def _perp_body(parts_ref, out_ref):
    btot = 8192.0
    hist = jnp.sum(parts_ref[...], axis=0, keepdims=True)
    probs = hist / btot
    out_ref[0] = jnp.exp(-jnp.sum(probs * jnp.log(probs + 1e-10)))


def _perplexity(hist_parts):
    return pl.pallas_call(
        _perp_body,
        out_specs=pl.BlockSpec(memory_space=pltpu.SMEM),
        out_shape=jax.ShapeDtypeStruct((1,), jnp.float32),
    )(hist_parts)


def kernel(z, embedding):
    B, D = z.shape
    K = embedding.shape[0]
    zz = jnp.sum(z * z, axis=1, keepdims=True)
    ee = jnp.sum(embedding * embedding, axis=1)
    indices, stats = _vq_main(z, embedding, zz, ee)
    emb_pad = jnp.pad(embedding, ((0, 0), (0, 128 - D)))
    z_q_pad, hist_parts = _sc_gather_hist(
        emb_pad, indices.reshape(B // 128, 128), B, K)
    perp = _perplexity(hist_parts.reshape(-1, K))
    return (z_q_pad[:, :D], stats[0], perp[0], indices, stats[1])

# --- scband reference (transcript-rebuilt; emitter-appended) ---
"""Pipeline reference for scband-vector-quantizer-ema-84713934946735 (READ-ONLY COPY).

The authoritative reference and input builder live on the scoring server;
editing this copy changes nothing except your own understanding.
"""

import jax, jax.numpy as jnp
import numpy as np

NUM_CODES = 8192
CODE_DIM = 32
COMMITMENT_COST = 0.25
DIVERSITY_WEIGHT = 0.1


def setup_inputs(seed: int = 0) -> dict:
    key = jax.random.key(seed)
    k1, k2 = jax.random.split(key)
    z = jax.random.normal(k1, (8192, CODE_DIM), dtype=jnp.float32)
    embedding = jax.random.normal(k2, (NUM_CODES, CODE_DIM), dtype=jnp.float32)
    return {"z": z, "embedding": embedding}


def reference(z, embedding):
    num_codes = embedding.shape[0]
    # squared euclidean distances [B, K]
    distances = (
        jnp.sum(z * z, axis=1, keepdims=True)
        + jnp.sum(embedding * embedding, axis=1)
        - 2.0 * (z @ embedding.T)
    )
    indices = jnp.argmin(distances, axis=1)
    z_q = jnp.take(embedding, indices, axis=0)
    # eval-mode forward (no EMA buffer updates)
    commitment_loss = jnp.mean((z - jax.lax.stop_gradient(z_q)) ** 2)
    embedding_loss = jnp.mean((jax.lax.stop_gradient(z) - z_q) ** 2)
    soft_assignments = jax.nn.softmax(-distances, axis=1)
    avg_soft_assignments = jnp.mean(soft_assignments, axis=0)
    entropy = -jnp.sum(avg_soft_assignments * jnp.log(avg_soft_assignments + 1e-10))
    max_entropy = jnp.log(jnp.float32(num_codes))
    diversity_loss = max_entropy - entropy
    vq_loss = commitment_loss * COMMITMENT_COST + embedding_loss + DIVERSITY_WEIGHT * diversity_loss
    z_q_st = z + jax.lax.stop_gradient(z_q - z)
    encodings = jax.nn.one_hot(indices, num_codes, dtype=jnp.float32)
    avg_probs = jnp.mean(encodings, axis=0)
    perplexity = jnp.exp(-jnp.sum(avg_probs * jnp.log(avg_probs + 1e-10)))
    return (z_q_st, vq_loss, perplexity, indices, diversity_loss)

if __name__ == "__main__":
    import jax
    _d = setup_inputs()
    print(jax.jit(kernel)(*tuple(_d.values())))

</pallas_src>

<mosaic_0001>
#map = affine_map<(d0, d1) -> (0, 0)>
#map1 = affine_map<(d0, d1) -> (0)>
module attributes {stable_mosaic.version = 14 : i64} {
  func.func @gather(%arg0: i32, %arg1: i32, %arg2: memref<8192x128xf32, #tpu.memory_space<hbm>>, %arg3: memref<64x128xi32, #tpu.memory_space<hbm>>, %arg4: memref<8192x128xf32, #tpu.memory_space<hbm>>, %arg5: memref<262144xf32, #tpu.memory_space<hbm>>, %arg6: memref<2x128xi32, #tpu.memory_space<vmem>>, %arg7: memref<128x128xf32, #tpu.memory_space<vmem>>, %arg8: memref<16384xf32, #tpu.memory_space<vmem>>, %arg9: memref<!tpu.dma_semaphore, #tpu.memory_space<semaphore_mem>>) attributes {dimension_semantics = [#tpu.dimension_semantics<core_parallel>, #tpu.dimension_semantics<subcore_parallel>], iteration_bounds = array<i64: 2, 16>, scalar_prefetch = 0 : i64, scratch_operands = 4 : i64, tpu.core_type = #tpu.core_type<sc_vector_subcore>, window_params = [{transform_indices = #map}, {transform_indices = #map}, {transform_indices = #map}, {transform_indices = #map1}]} {
    %mul3A = arith.constant 2 : i32
    %mul3A_0 = arith.muli %arg1, %mul3A : i32
    %add3A = arith.addi %mul3A_0, %arg0 : i32
    %mul3A_1 = arith.constant 2 : i32
    %mul3A_2 = arith.muli %add3A, %mul3A_1 : i32
    "tpu.region"() ({
      %run_scoped3A = tpu.sem_alloc : memref<!tpu.dma_semaphore, #tpu.memory_space<semaphore_mem>>
      %dma_start3A_166 = arith.constant 0 : i32
      %dma_start3A_167 = tpu.memref_slice %arg3[%mul3A_2, %dma_start3A_166] : memref<64x128xi32, #tpu.memory_space<hbm>> -> memref<2x128xi32, #tpu.memory_space<hbm>>
      %dma_start3A_168 = arith.constant 0 : i32
      %dma_start3A_169 = tpu.memref_slice %arg3[%mul3A_2, %dma_start3A_168] : memref<64x128xi32, #tpu.memory_space<hbm>> -> memref<2x128xi32, #tpu.memory_space<hbm>>
      tpu.enqueue_dma source(%dma_start3A_169 : memref<2x128xi32, #tpu.memory_space<hbm>>) target(%arg6 : memref<2x128xi32, #tpu.memory_space<vmem>>) target_semaphore(%run_scoped3A : memref<!tpu.dma_semaphore, #tpu.memory_space<semaphore_mem>>)
      %dma_wait3A_170 = arith.constant 0 : i32
      %dma_wait3A_171 = tpu.memref_slice %arg3[%mul3A_2, %dma_wait3A_170] : memref<64x128xi32, #tpu.memory_space<hbm>> -> memref<2x128xi32, #tpu.memory_space<hbm>>
      %dma_wait3A_172 = arith.constant 0 : i32
      %dma_wait3A_173 = tpu.memref_slice %arg3[%mul3A_2, %dma_wait3A_172] : memref<64x128xi32, #tpu.memory_space<hbm>> -> memref<2x128xi32, #tpu.memory_space<hbm>>
      tpu.wait_dma2 semaphore(%run_scoped3A : memref<!tpu.dma_semaphore, #tpu.memory_space<semaphore_mem>>) src(%dma_wait3A_173 : memref<2x128xi32, #tpu.memory_space<hbm>>) dst(%arg6 : memref<2x128xi32, #tpu.memory_space<vmem>>)
      tpu.yield
    }) : () -> ()
    %dma_start3A = arith.constant 0 : i32
    %dma_start3A_3 = arith.constant 0 : i32
    %dma_start3A_4 = tpu.memref_slice %arg6[%dma_start3A, %dma_start3A_3] : memref<2x128xi32, #tpu.memory_space<vmem>> -> memref<1x128xi32, #tpu.memory_space<vmem>>
    %dma_start3A_5 = tpu.memref_squeeze %dma_start3A_4 : memref<1x128xi32, #tpu.memory_space<vmem>> -> memref<128xi32, #tpu.memory_space<vmem>>
    %dma_start3A_6 = arith.constant 0 : i32
    %dma_start3A_7 = arith.constant 0 : i32
    %dma_start3A_8 = tpu.memref_slice %arg2[%dma_start3A_6, %dma_start3A_7] : memref<8192x128xf32, #tpu.memory_space<hbm>> -> memref<8192x128xf32, #tpu.memory_space<hbm>>
    tpu.enqueue_indirect_dma source(%dma_start3A_8 : memref<8192x128xf32, #tpu.memory_space<hbm>>) target(%arg7 : memref<128x128xf32, #tpu.memory_space<vmem>>) offsets(%dma_start3A_5 : memref<128xi32, #tpu.memory_space<vmem>>) semaphore(%arg9 : memref<!tpu.dma_semaphore, #tpu.memory_space<semaphore_mem>>)
    %broadcast_in_dim3A = arith.constant 0.000000e+00 : f32
    %broadcast_in_dim3A_9 = vector.broadcast %broadcast_in_dim3A : f32 to vector<16xf32>
    %scan3A = arith.constant 0 : i32
    %scan3A_10 = arith.constant 0 : i32
    %scan3A_11 = arith.constant 128 : i32
    %scan3A_12 = arith.addi %scan3A_10, %scan3A_11 : i32
    %scan3A_13 = arith.constant 1 : i32
    scf.for %scan3A_166 = %scan3A_10 to %scan3A_12 step %scan3A_13  : i32 {
      %mul3A_167 = arith.constant 8 : i32
      %mul3A_168 = arith.muli %scan3A_166, %mul3A_167 : i32
      %add3A_169 = arith.constant 0 : i32
      %add3A_170 = arith.addi %mul3A_168, %add3A_169 : i32
      %mul3A_171 = arith.constant 16 : i32
      %mul3A_172 = arith.muli %add3A_170, %mul3A_171 : i32
      %swap3A = arith.index_cast %mul3A_172 : i32 to index
      %swap3A_173 = tpu.vector_load %arg8[%swap3A] {strides = array<i32>} : memref<16384xf32, #tpu.memory_space<vmem>>, vector<16xf32>,
      tpu.vector_store %arg8[%swap3A], %broadcast_in_dim3A_9 {strides = array<i32>} : memref<16384xf32, #tpu.memory_space<vmem>>, vector<16xf32>,
      %mul3A_174 = arith.constant 8 : i32
      %mul3A_175 = arith.muli %scan3A_166, %mul3A_174 : i32
      %add3A_176 = arith.constant 1 : i32
      %add3A_177 = arith.addi %mul3A_175, %add3A_176 : i32
      %mul3A_178 = arith.constant 16 : i32
      %mul3A_179 = arith.muli %add3A_177, %mul3A_178 : i32
      %swap3A_180 = arith.index_cast %mul3A_179 : i32 to index
      %swap3A_181 = tpu.vector_load %arg8[%swap3A_180] {strides = array<i32>} : memref<16384xf32, #tpu.memory_space<vmem>>, vector<16xf32>,
      tpu.vector_store %arg8[%swap3A_180], %broadcast_in_dim3A_9 {strides = array<i32>} : memref<16384xf32, #tpu.memory_space<vmem>>, vector<16xf32>,
      %mul3A_182 = arith.constant 8 : i32
      %mul3A_183 = arith.muli %scan3A_166, %mul3A_182 : i32
      %add3A_184 = arith.constant 2 : i32
      %add3A_185 = arith.addi %mul3A_183, %add3A_184 : i32
      %mul3A_186 = arith.constant 16 : i32
      %mul3A_187 = arith.muli %add3A_185, %mul3A_186 : i32
      %swap3A_188 = arith.index_cast %mul3A_187 : i32 to index
      %swap3A_189 = tpu.vector_load %arg8[%swap3A_188] {strides = array<i32>} : memref<16384xf32, #tpu.memory_space<vmem>>, vector<16xf32>,
      tpu.vector_store %arg8[%swap3A_188], %broadcast_in_dim3A_9 {strides = array<i32>} : memref<16384xf32, #tpu.memory_space<vmem>>, vector<16xf32>,
      %mul3A_190 = arith.constant 8 : i32
      %mul3A_191 = arith.muli %scan3A_166, %mul3A_190 : i32
      %add3A_192 = arith.constant 3 : i32
      %add3A_193 = arith.addi %mul3A_191, %add3A_192 : i32
      %mul3A_194 = arith.constant 16 : i32
      %mul3A_195 = arith.muli %add3A_193, %mul3A_194 : i32
      %swap3A_196 = arith.index_cast %mul3A_195 : i32 to index
      %swap3A_197 = tpu.vector_load %arg8[%swap3A_196] {strides = array<i32>} : memref<16384xf32, #tpu.memory_space<vmem>>, vector<16xf32>,
      tpu.vector_store %arg8[%swap3A_196], %broadcast_in_dim3A_9 {strides = array<i32>} : memref<16384xf32, #tpu.memory_space<vmem>>, vector<16xf32>,
      %mul3A_198 = arith.constant 8 : i32
      %mul3A_199 = arith.muli %scan3A_166, %mul3A_198 : i32
      %add3A_200 = arith.constant 4 : i32
      %add3A_201 = arith.addi %mul3A_199, %add3A_200 : i32
      %mul3A_202 = arith.constant 16 : i32
      %mul3A_203 = arith.muli %add3A_201, %mul3A_202 : i32
      %swap3A_204 = arith.index_cast %mul3A_203 : i32 to index
      %swap3A_205 = tpu.vector_load %arg8[%swap3A_204] {strides = array<i32>} : memref<16384xf32, #tpu.memory_space<vmem>>, vector<16xf32>,
      tpu.vector_store %arg8[%swap3A_204], %broadcast_in_dim3A_9 {strides = array<i32>} : memref<16384xf32, #tpu.memory_space<vmem>>, vector<16xf32>,
      %mul3A_206 = arith.constant 8 : i32
      %mul3A_207 = arith.muli %scan3A_166, %mul3A_206 : i32
      %add3A_208 = arith.constant 5 : i32
      %add3A_209 = arith.addi %mul3A_207, %add3A_208 : i32
      %mul3A_210 = arith.constant 16 : i32
      %mul3A_211 = arith.muli %add3A_209, %mul3A_210 : i32
      %swap3A_212 = arith.index_cast %mul3A_211 : i32 to index
      %swap3A_213 = tpu.vector_load %arg8[%swap3A_212] {strides = array<i32>} : memref<16384xf32, #tpu.memory_space<vmem>>, vector<16xf32>,
      tpu.vector_store %arg8[%swap3A_212], %broadcast_in_dim3A_9 {strides = array<i32>} : memref<16384xf32, #tpu.memory_space<vmem>>, vector<16xf32>,
      %mul3A_214 = arith.constant 8 : i32
      %mul3A_215 = arith.muli %scan3A_166, %mul3A_214 : i32
      %add3A_216 = arith.constant 6 : i32
      %add3A_217 = arith.addi %mul3A_215, %add3A_216 : i32
      %mul3A_218 = arith.constant 16 : i32
      %mul3A_219 = arith.muli %add3A_217, %mul3A_218 : i32
      %swap3A_220 = arith.index_cast %mul3A_219 : i32 to index
      %swap3A_221 = tpu.vector_load %arg8[%swap3A_220] {strides = array<i32>} : memref<16384xf32, #tpu.memory_space<vmem>>, vector<16xf32>,
      tpu.vector_store %arg8[%swap3A_220], %broadcast_in_dim3A_9 {strides = array<i32>} : memref<16384xf32, #tpu.memory_space<vmem>>, vector<16xf32>,
      %mul3A_222 = arith.constant 8 : i32
      %mul3A_223 = arith.muli %scan3A_166, %mul3A_222 : i32
      %add3A_224 = arith.constant 7 : i32
      %add3A_225 = arith.addi %mul3A_223, %add3A_224 : i32
      %mul3A_226 = arith.constant 16 : i32
      %mul3A_227 = arith.muli %add3A_225, %mul3A_226 : i32
      %swap3A_228 = arith.index_cast %mul3A_227 : i32 to index
      %swap3A_229 = tpu.vector_load %arg8[%swap3A_228] {strides = array<i32>} : memref<16384xf32, #tpu.memory_space<vmem>>, vector<16xf32>,
      tpu.vector_store %arg8[%swap3A_228], %broadcast_in_dim3A_9 {strides = array<i32>} : memref<16384xf32, #tpu.memory_space<vmem>>, vector<16xf32>,
    }
    %scan3A_14 = arith.constant 128 : i32
    %dma_wait3A = arith.constant 0 : i32
    %dma_wait3A_15 = arith.constant 0 : i32
    %dma_wait3A_16 = tpu.memref_slice %arg6[%dma_wait3A, %dma_wait3A_15] : memref<2x128xi32, #tpu.memory_space<vmem>> -> memref<1x128xi32, #tpu.memory_space<vmem>>
    %dma_wait3A_17 = tpu.memref_squeeze %dma_wait3A_16 : memref<1x128xi32, #tpu.memory_space<vmem>> -> memref<128xi32, #tpu.memory_space<vmem>>
    %dma_wait3A_18 = arith.constant 0 : i32
    %dma_wait3A_19 = arith.constant 0 : i32
    %dma_wait3A_20 = tpu.memref_slice %arg2[%dma_wait3A_18, %dma_wait3A_19] : memref<8192x128xf32, #tpu.memory_space<hbm>> -> memref<8192x128xf32, #tpu.memory_space<hbm>>
    tpu.wait_indirect_dma semaphore(%arg9 : memref<!tpu.dma_semaphore, #tpu.memory_space<semaphore_mem>>) src(%dma_wait3A_20 : memref<8192x128xf32, #tpu.memory_space<hbm>>) dst(%arg7 : memref<128x128xf32, #tpu.memory_space<vmem>>)
    %mul3A_21 = arith.constant 2 : i32
    %mul3A_22 = arith.muli %add3A, %mul3A_21 : i32
    %add3A_23 = arith.constant 0 : i32
    %add3A_24 = arith.addi %mul3A_22, %add3A_23 : i32
    %mul3A_25 = arith.constant 128 : i32
    %mul3A_26 = arith.muli %add3A_24, %mul3A_25 : i32
    "tpu.region"() ({
      %run_scoped3A = tpu.sem_alloc : memref<!tpu.dma_semaphore, #tpu.memory_space<semaphore_mem>>
      %dma_start3A_166 = arith.constant 0 : i32
      %dma_start3A_167 = tpu.memref_slice %arg4[%mul3A_26, %dma_start3A_166] : memref<8192x128xf32, #tpu.memory_space<hbm>> -> memref<128x128xf32, #tpu.memory_space<hbm>>
      %dma_start3A_168 = arith.constant 0 : i32
      %dma_start3A_169 = tpu.memref_slice %arg4[%mul3A_26, %dma_start3A_168] : memref<8192x128xf32, #tpu.memory_space<hbm>> -> memref<128x128xf32, #tpu.memory_space<hbm>>
      tpu.enqueue_dma source(%arg7 : memref<128x128xf32, #tpu.memory_space<vmem>>) target(%dma_start3A_169 : memref<128x128xf32, #tpu.memory_space<hbm>>) target_semaphore(%run_scoped3A : memref<!tpu.dma_semaphore, #tpu.memory_space<semaphore_mem>>)
      %dma_wait3A_170 = arith.constant 0 : i32
      %dma_wait3A_171 = tpu.memref_slice %arg4[%mul3A_26, %dma_wait3A_170] : memref<8192x128xf32, #tpu.memory_space<hbm>> -> memref<128x128xf32, #tpu.memory_space<hbm>>
      %dma_wait3A_172 = arith.constant 0 : i32
      %dma_wait3A_173 = tpu.memref_slice %arg4[%mul3A_26, %dma_wait3A_172] : memref<8192x128xf32, #tpu.memory_space<hbm>> -> memref<128x128xf32, #tpu.memory_space<hbm>>
      tpu.wait_dma2 semaphore(%run_scoped3A : memref<!tpu.dma_semaphore, #tpu.memory_space<semaphore_mem>>) src(%arg7 : memref<128x128xf32, #tpu.memory_space<vmem>>) dst(%dma_wait3A_173 : memref<128x128xf32, #tpu.memory_space<hbm>>)
      tpu.yield
    }) : () -> ()
    %dma_start3A_27 = arith.constant 1 : i32
    %dma_start3A_28 = arith.constant 0 : i32
    %dma_start3A_29 = tpu.memref_slice %arg6[%dma_start3A_27, %dma_start3A_28] : memref<2x128xi32, #tpu.memory_space<vmem>> -> memref<1x128xi32, #tpu.memory_space<vmem>>
    %dma_start3A_30 = tpu.memref_squeeze %dma_start3A_29 : memref<1x128xi32, #tpu.memory_space<vmem>> -> memref<128xi32, #tpu.memory_space<vmem>>
    %dma_start3A_31 = arith.constant 0 : i32
    %dma_start3A_32 = arith.constant 0 : i32
    %dma_start3A_33 = tpu.memref_slice %arg2[%dma_start3A_31, %dma_start3A_32] : memref<8192x128xf32, #tpu.memory_space<hbm>> -> memref<8192x128xf32, #tpu.memory_space<hbm>>
    tpu.enqueue_indirect_dma source(%dma_start3A_33 : memref<8192x128xf32, #tpu.memory_space<hbm>>) target(%arg7 : memref<128x128xf32, #tpu.memory_space<vmem>>) offsets(%dma_start3A_30 : memref<128xi32, #tpu.memory_space<vmem>>) semaphore(%arg9 : memref<!tpu.dma_semaphore, #tpu.memory_space<semaphore_mem>>)
    %dma_wait3A_34 = arith.constant 1 : i32
    %dma_wait3A_35 = arith.constant 0 : i32
    %dma_wait3A_36 = tpu.memref_slice %arg6[%dma_wait3A_34, %dma_wait3A_35] : memref<2x128xi32, #tpu.memory_space<vmem>> -> memref<1x128xi32, #tpu.memory_space<vmem>>
    %dma_wait3A_37 = tpu.memref_squeeze %dma_wait3A_36 : memref<1x128xi32, #tpu.memory_space<vmem>> -> memref<128xi32, #tpu.memory_space<vmem>>
    %dma_wait3A_38 = arith.constant 0 : i32
    %dma_wait3A_39 = arith.constant 0 : i32
    %dma_wait3A_40 = tpu.memref_slice %arg2[%dma_wait3A_38, %dma_wait3A_39] : memref<8192x128xf32, #tpu.memory_space<hbm>> -> memref<8192x128xf32, #tpu.memory_space<hbm>>
    tpu.wait_indirect_dma semaphore(%arg9 : memref<!tpu.dma_semaphore, #tpu.memory_space<semaphore_mem>>) src(%dma_wait3A_40 : memref<8192x128xf32, #tpu.memory_space<hbm>>) dst(%arg7 : memref<128x128xf32, #tpu.memory_space<vmem>>)
    %mul3A_41 = arith.constant 2 : i32
    %mul3A_42 = arith.muli %add3A, %mul3A_41 : i32
    %add3A_43 = arith.constant 1 : i32
    %add3A_44 = arith.addi %mul3A_42, %add3A_43 : i32
    %mul3A_45 = arith.constant 128 : i32
    %mul3A_46 = arith.muli %add3A_44, %mul3A_45 : i32
    "tpu.region"() ({
      %run_scoped3A = tpu.sem_alloc : memref<!tpu.dma_semaphore, #tpu.memory_space<semaphore_mem>>
      %dma_start3A_166 = arith.constant 0 : i32
      %dma_start3A_167 = tpu.memref_slice %arg4[%mul3A_46, %dma_start3A_166] : memref<8192x128xf32, #tpu.memory_space<hbm>> -> memref<128x128xf32, #tpu.memory_space<hbm>>
      %dma_start3A_168 = arith.constant 0 : i32
      %dma_start3A_169 = tpu.memref_slice %arg4[%mul3A_46, %dma_start3A_168] : memref<8192x128xf32, #tpu.memory_space<hbm>> -> memref<128x128xf32, #tpu.memory_space<hbm>>
      tpu.enqueue_dma source(%arg7 : memref<128x128xf32, #tpu.memory_space<vmem>>) target(%dma_start3A_169 : memref<128x128xf32, #tpu.memory_space<hbm>>) target_semaphore(%run_scoped3A : memref<!tpu.dma_semaphore, #tpu.memory_space<semaphore_mem>>)
      %dma_wait3A_170 = arith.constant 0 : i32
      %dma_wait3A_171 = tpu.memref_slice %arg4[%mul3A_46, %dma_wait3A_170] : memref<8192x128xf32, #tpu.memory_space<hbm>> -> memref<128x128xf32, #tpu.memory_space<hbm>>
      %dma_wait3A_172 = arith.constant 0 : i32
      %dma_wait3A_173 = tpu.memref_slice %arg4[%mul3A_46, %dma_wait3A_172] : memref<8192x128xf32, #tpu.memory_space<hbm>> -> memref<128x128xf32, #tpu.memory_space<hbm>>
      tpu.wait_dma2 semaphore(%run_scoped3A : memref<!tpu.dma_semaphore, #tpu.memory_space<semaphore_mem>>) src(%arg7 : memref<128x128xf32, #tpu.memory_space<vmem>>) dst(%dma_wait3A_173 : memref<128x128xf32, #tpu.memory_space<hbm>>)
      tpu.yield
    }) : () -> ()
    %iota3A = tpu.iota {dimensions = array<i32: 0>} : vector<16xi32>
    %and3A = arith.constant 1 : i32
    %and3A_47 = vector.broadcast %and3A : i32 to vector<16xi32>
    %and3A_48 = arith.andi %iota3A, %and3A_47 : vector<16xi32>
    %mul3A_49 = arith.constant 8192 : i32
    %mul3A_50 = vector.broadcast %mul3A_49 : i32 to vector<16xi32>
    %mul3A_51 = arith.muli %and3A_48, %mul3A_50 : vector<16xi32>
    %broadcast_in_dim3A_52 = arith.constant 1.000000e+00 : f32
    %broadcast_in_dim3A_53 = vector.broadcast %broadcast_in_dim3A_52 : f32 to vector<16xf32>
    %shift_right_logical3A = arith.constant 1 : i32
    %shift_right_logical3A_54 = vector.broadcast %shift_right_logical3A : i32 to vector<16xi32>
    %shift_right_logical3A_55 = arith.shrui %iota3A, %shift_right_logical3A_54 : vector<16xi32>
    %eq3A = arith.constant 0 : i32
    %eq3A_56 = vector.broadcast %eq3A : i32 to vector<16xi32>
    %eq3A_57 = arith.cmpi eq, %shift_right_logical3A_55, %eq3A_56 : vector<16xi32>
    %eq3A_58 = arith.constant 1 : i32
    %eq3A_59 = vector.broadcast %eq3A_58 : i32 to vector<16xi32>
    %eq3A_60 = arith.cmpi eq, %shift_right_logical3A_55, %eq3A_59 : vector<16xi32>
    %eq3A_61 = arith.constant 2 : i32
    %eq3A_62 = vector.broadcast %eq3A_61 : i32 to vector<16xi32>
    %eq3A_63 = arith.cmpi eq, %shift_right_logical3A_55, %eq3A_62 : vector<16xi32>
    %eq3A_64 = arith.constant 3 : i32
    %eq3A_65 = vector.broadcast %eq3A_64 : i32 to vector<16xi32>
    %eq3A_66 = arith.cmpi eq, %shift_right_logical3A_55, %eq3A_65 : vector<16xi32>
    %eq3A_67 = arith.constant 4 : i32
    %eq3A_68 = vector.broadcast %eq3A_67 : i32 to vector<16xi32>
    %eq3A_69 = arith.cmpi eq, %shift_right_logical3A_55, %eq3A_68 : vector<16xi32>
    %eq3A_70 = arith.constant 5 : i32
    %eq3A_71 = vector.broadcast %eq3A_70 : i32 to vector<16xi32>
    %eq3A_72 = arith.cmpi eq, %shift_right_logical3A_55, %eq3A_71 : vector<16xi32>
    %eq3A_73 = arith.constant 6 : i32
    %eq3A_74 = vector.broadcast %eq3A_73 : i32 to vector<16xi32>
    %eq3A_75 = arith.cmpi eq, %shift_right_logical3A_55, %eq3A_74 : vector<16xi32>
    %eq3A_76 = arith.constant 7 : i32
    %eq3A_77 = vector.broadcast %eq3A_76 : i32 to vector<16xi32>
    %eq3A_78 = arith.cmpi eq, %shift_right_logical3A_55, %eq3A_77 : vector<16xi32>
    %get3A = arith.constant 0 : i32
    %get3A_79 = arith.index_cast %get3A : i32 to index
    %get3A_80 = arith.constant 0 : index
    %get3A_81 = tpu.vector_load %arg6[%get3A_79, %get3A_80] {strides = array<i32>} : memref<2x128xi32, #tpu.memory_space<vmem>>, vector<16xi32>,
    %add3A_82 = arith.addi %get3A_81, %mul3A_51 : vector<16xi32>
    tpu.vector_store_idx %arg8[%add3A_82], %broadcast_in_dim3A_53 masked %eq3A_57 {add = true} : memref<16384xf32, #tpu.memory_space<vmem>>[vector<16xi32>], vector<16xf32>, vector<16xi1>
    tpu.vector_store_idx %arg8[%add3A_82], %broadcast_in_dim3A_53 masked %eq3A_60 {add = true} : memref<16384xf32, #tpu.memory_space<vmem>>[vector<16xi32>], vector<16xf32>, vector<16xi1>
    tpu.vector_store_idx %arg8[%add3A_82], %broadcast_in_dim3A_53 masked %eq3A_63 {add = true} : memref<16384xf32, #tpu.memory_space<vmem>>[vector<16xi32>], vector<16xf32>, vector<16xi1>
    tpu.vector_store_idx %arg8[%add3A_82], %broadcast_in_dim3A_53 masked %eq3A_66 {add = true} : memref<16384xf32, #tpu.memory_space<vmem>>[vector<16xi32>], vector<16xf32>, vector<16xi1>
    tpu.vector_store_idx %arg8[%add3A_82], %broadcast_in_dim3A_53 masked %eq3A_69 {add = true} : memref<16384xf32, #tpu.memory_space<vmem>>[vector<16xi32>], vector<16xf32>, vector<16xi1>
    tpu.vector_store_idx %arg8[%add3A_82], %broadcast_in_dim3A_53 masked %eq3A_72 {add = true} : memref<16384xf32, #tpu.memory_space<vmem>>[vector<16xi32>], vector<16xf32>, vector<16xi1>
    tpu.vector_store_idx %arg8[%add3A_82], %broadcast_in_dim3A_53 masked %eq3A_75 {add = true} : memref<16384xf32, #tpu.memory_space<vmem>>[vector<16xi32>], vector<16xf32>, vector<16xi1>
    tpu.vector_store_idx %arg8[%add3A_82], %broadcast_in_dim3A_53 masked %eq3A_78 {add = true} : memref<16384xf32, #tpu.memory_space<vmem>>[vector<16xi32>], vector<16xf32>, vector<16xi1>
    %get3A_83 = arith.constant 0 : i32
    %get3A_84 = arith.index_cast %get3A_83 : i32 to index
    %get3A_85 = arith.constant 16 : index
    %get3A_86 = tpu.vector_load %arg6[%get3A_84, %get3A_85] {strides = array<i32>} : memref<2x128xi32, #tpu.memory_space<vmem>>, vector<16xi32>,
    %add3A_87 = arith.addi %get3A_86, %mul3A_51 : vector<16xi32>
    tpu.vector_store_idx %arg8[%add3A_87], %broadcast_in_dim3A_53 masked %eq3A_57 {add = true} : memref<16384xf32, #tpu.memory_space<vmem>>[vector<16xi32>], vector<16xf32>, vector<16xi1>
    tpu.vector_store_idx %arg8[%add3A_87], %broadcast_in_dim3A_53 masked %eq3A_60 {add = true} : memref<16384xf32, #tpu.memory_space<vmem>>[vector<16xi32>], vector<16xf32>, vector<16xi1>
    tpu.vector_store_idx %arg8[%add3A_87], %broadcast_in_dim3A_53 masked %eq3A_63 {add = true} : memref<16384xf32, #tpu.memory_space<vmem>>[vector<16xi32>], vector<16xf32>, vector<16xi1>
    tpu.vector_store_idx %arg8[%add3A_87], %broadcast_in_dim3A_53 masked %eq3A_66 {add = true} : memref<16384xf32, #tpu.memory_space<vmem>>[vector<16xi32>], vector<16xf32>, vector<16xi1>
    tpu.vector_store_idx %arg8[%add3A_87], %broadcast_in_dim3A_53 masked %eq3A_69 {add = true} : memref<16384xf32, #tpu.memory_space<vmem>>[vector<16xi32>], vector<16xf32>, vector<16xi1>
    tpu.vector_store_idx %arg8[%add3A_87], %broadcast_in_dim3A_53 masked %eq3A_72 {add = true} : memref<16384xf32, #tpu.memory_space<vmem>>[vector<16xi32>], vector<16xf32>, vector<16xi1>
    tpu.vector_store_idx %arg8[%add3A_87], %broadcast_in_dim3A_53 masked %eq3A_75 {add = true} : memref<16384xf32, #tpu.memory_space<vmem>>[vector<16xi32>], vector<16xf32>, vector<16xi1>
    tpu.vector_store_idx %arg8[%add3A_87], %broadcast_in_dim3A_53 masked %eq3A_78 {add = true} : memref<16384xf32, #tpu.memory_space<vmem>>[vector<16xi32>], vector<16xf32>, vector<16xi1>
    %get3A_88 = arith.constant 0 : i32
    %get3A_89 = arith.index_cast %get3A_88 : i32 to index
    %get3A_90 = arith.constant 32 : index
    %get3A_91 = tpu.vector_load %arg6[%get3A_89, %get3A_90] {strides = array<i32>} : memref<2x128xi32, #tpu.memory_space<vmem>>, vector<16xi32>,
    %add3A_92 = arith.addi %get3A_91, %mul3A_51 : vector<16xi32>
    tpu.vector_store_idx %arg8[%add3A_92], %broadcast_in_dim3A_53 masked %eq3A_57 {add = true} : memref<16384xf32, #tpu.memory_space<vmem>>[vector<16xi32>], vector<16xf32>, vector<16xi1>
    tpu.vector_store_idx %arg8[%add3A_92], %broadcast_in_dim3A_53 masked %eq3A_60 {add = true} : memref<16384xf32, #tpu.memory_space<vmem>>[vector<16xi32>], vector<16xf32>, vector<16xi1>
    tpu.vector_store_idx %arg8[%add3A_92], %broadcast_in_dim3A_53 masked %eq3A_63 {add = true} : memref<16384xf32, #tpu.memory_space<vmem>>[vector<16xi32>], vector<16xf32>, vector<16xi1>
    tpu.vector_store_idx %arg8[%add3A_92], %broadcast_in_dim3A_53 masked %eq3A_66 {add = true} : memref<16384xf32, #tpu.memory_space<vmem>>[vector<16xi32>], vector<16xf32>, vector<16xi1>
    tpu.vector_store_idx %arg8[%add3A_92], %broadcast_in_dim3A_53 masked %eq3A_69 {add = true} : memref<16384xf32, #tpu.memory_space<vmem>>[vector<16xi32>], vector<16xf32>, vector<16xi1>
    tpu.vector_store_idx %arg8[%add3A_92], %broadcast_in_dim3A_53 masked %eq3A_72 {add = true} : memref<16384xf32, #tpu.memory_space<vmem>>[vector<16xi32>], vector<16xf32>, vector<16xi1>
    tpu.vector_store_idx %arg8[%add3A_92], %broadcast_in_dim3A_53 masked %eq3A_75 {add = true} : memref<16384xf32, #tpu.memory_space<vmem>>[vector<16xi32>], vector<16xf32>, vector<16xi1>
    tpu.vector_store_idx %arg8[%add3A_92], %broadcast_in_dim3A_53 masked %eq3A_78 {add = true} : memref<16384xf32, #tpu.memory_space<vmem>>[vector<16xi32>], vector<16xf32>, vector<16xi1>
    %get3A_93 = arith.constant 0 : i32
    %get3A_94 = arith.index_cast %get3A_93 : i32 to index
    %get3A_95 = arith.constant 48 : index
    %get3A_96 = tpu.vector_load %arg6[%get3A_94, %get3A_95] {strides = array<i32>} : memref<2x128xi32, #tpu.memory_space<vmem>>, vector<16xi32>,
    %add3A_97 = arith.addi %get3A_96, %mul3A_51 : vector<16xi32>
    tpu.vector_store_idx %arg8[%add3A_97], %broadcast_in_dim3A_53 masked %eq3A_57 {add = true} : memref<16384xf32, #tpu.memory_space<vmem>>[vector<16xi32>], vector<16xf32>, vector<16xi1>
    tpu.vector_store_idx %arg8[%add3A_97], %broadcast_in_dim3A_53 masked %eq3A_60 {add = true} : memref<16384xf32, #tpu.memory_space<vmem>>[vector<16xi32>], vector<16xf32>, vector<16xi1>
    tpu.vector_store_idx %arg8[%add3A_97], %broadcast_in_dim3A_53 masked %eq3A_63 {add = true} : memref<16384xf32, #tpu.memory_space<vmem>>[vector<16xi32>], vector<16xf32>, vector<16xi1>
    tpu.vector_store_idx %arg8[%add3A_97], %broadcast_in_dim3A_53 masked %eq3A_66 {add = true} : memref<16384xf32, #tpu.memory_space<vmem>>[vector<16xi32>], vector<16xf32>, vector<16xi1>
    tpu.vector_store_idx %arg8[%add3A_97], %broadcast_in_dim3A_53 masked %eq3A_69 {add = true} : memref<16384xf32, #tpu.memory_space<vmem>>[vector<16xi32>], vector<16xf32>, vector<16xi1>
    tpu.vector_store_idx %arg8[%add3A_97], %broadcast_in_dim3A_53 masked %eq3A_72 {add = true} : memref<16384xf32, #tpu.memory_space<vmem>>[vector<16xi32>], vector<16xf32>, vector<16xi1>
    tpu.vector_store_idx %arg8[%add3A_97], %broadcast_in_dim3A_53 masked %eq3A_75 {add = true} : memref<16384xf32, #tpu.memory_space<vmem>>[vector<16xi32>], vector<16xf32>, vector<16xi1>
    tpu.vector_store_idx %arg8[%add3A_97], %broadcast_in_dim3A_53 masked %eq3A_78 {add = true} : memref<16384xf32, #tpu.memory_space<vmem>>[vector<16xi32>], vector<16xf32>, vector<16xi1>
    %get3A_98 = arith.constant 0 : i32
    %get3A_99 = arith.index_cast %get3A_98 : i32 to index
    %get3A_100 = arith.constant 64 : index
    %get3A_101 = tpu.vector_load %arg6[%get3A_99, %get3A_100] {strides = array<i32>} : memref<2x128xi32, #tpu.memory_space<vmem>>, vector<16xi32>,
    %add3A_102 = arith.addi %get3A_101, %mul3A_51 : vector<16xi32>
    tpu.vector_store_idx %arg8[%add3A_102], %broadcast_in_dim3A_53 masked %eq3A_57 {add = true} : memref<16384xf32, #tpu.memory_space<vmem>>[vector<16xi32>], vector<16xf32>, vector<16xi1>
    tpu.vector_store_idx %arg8[%add3A_102], %broadcast_in_dim3A_53 masked %eq3A_60 {add = true} : memref<16384xf32, #tpu.memory_space<vmem>>[vector<16xi32>], vector<16xf32>, vector<16xi1>
    tpu.vector_store_idx %arg8[%add3A_102], %broadcast_in_dim3A_53 masked %eq3A_63 {add = true} : memref<16384xf32, #tpu.memory_space<vmem>>[vector<16xi32>], vector<16xf32>, vector<16xi1>
    tpu.vector_store_idx %arg8[%add3A_102], %broadcast_in_dim3A_53 masked %eq3A_66 {add = true} : memref<16384xf32, #tpu.memory_space<vmem>>[vector<16xi32>], vector<16xf32>, vector<16xi1>
    tpu.vector_store_idx %arg8[%add3A_102], %broadcast_in_dim3A_53 masked %eq3A_69 {add = true} : memref<16384xf32, #tpu.memory_space<vmem>>[vector<16xi32>], vector<16xf32>, vector<16xi1>
    tpu.vector_store_idx %arg8[%add3A_102], %broadcast_in_dim3A_53 masked %eq3A_72 {add = true} : memref<16384xf32, #tpu.memory_space<vmem>>[vector<16xi32>], vector<16xf32>, vector<16xi1>
    tpu.vector_store_idx %arg8[%add3A_102], %broadcast_in_dim3A_53 masked %eq3A_75 {add = true} : memref<16384xf32, #tpu.memory_space<vmem>>[vector<16xi32>], vector<16xf32>, vector<16xi1>
    tpu.vector_store_idx %arg8[%add3A_102], %broadcast_in_dim3A_53 masked %eq3A_78 {add = true} : memref<16384xf32, #tpu.memory_space<vmem>>[vector<16xi32>], vector<16xf32>, vector<16xi1>
    %get3A_103 = arith.constant 0 : i32
    %get3A_104 = arith.index_cast %get3A_103 : i32 to index
    %get3A_105 = arith.constant 80 : index
    %get3A_106 = tpu.vector_load %arg6[%get3A_104, %get3A_105] {strides = array<i32>} : memref<2x128xi32, #tpu.memory_space<vmem>>, vector<16xi32>,
    %add3A_107 = arith.addi %get3A_106, %mul3A_51 : vector<16xi32>
    tpu.vector_store_idx %arg8[%add3A_107], %broadcast_in_dim3A_53 masked %eq3A_57 {add = true} : memref<16384xf32, #tpu.memory_space<vmem>>[vector<16xi32>], vector<16xf32>, vector<16xi1>
    tpu.vector_store_idx %arg8[%add3A_107], %broadcast_in_dim3A_53 masked %eq3A_60 {add = true} : memref<16384xf32, #tpu.memory_space<vmem>>[vector<16xi32>], vector<16xf32>, vector<16xi1>
    tpu.vector_store_idx %arg8[%add3A_107], %broadcast_in_dim3A_53 masked %eq3A_63 {add = true} : memref<16384xf32, #tpu.memory_space<vmem>>[vector<16xi32>], vector<16xf32>, vector<16xi1>
    tpu.vector_store_idx %arg8[%add3A_107], %broadcast_in_dim3A_53 masked %eq3A_66 {add = true} : memref<16384xf32, #tpu.memory_space<vmem>>[vector<16xi32>], vector<16xf32>, vector<16xi1>
    tpu.vector_store_idx %arg8[%add3A_107], %broadcast_in_dim3A_53 masked %eq3A_69 {add = true} : memref<16384xf32, #tpu.memory_space<vmem>>[vector<16xi32>], vector<16xf32>, vector<16xi1>
    tpu.vector_store_idx %arg8[%add3A_107], %broadcast_in_dim3A_53 masked %eq3A_72 {add = true} : memref<16384xf32, #tpu.memory_space<vmem>>[vector<16xi32>], vector<16xf32>, vector<16xi1>
    tpu.vector_store_idx %arg8[%add3A_107], %broadcast_in_dim3A_53 masked %eq3A_75 {add = true} : memref<16384xf32, #tpu.memory_space<vmem>>[vector<16xi32>], vector<16xf32>, vector<16xi1>
    tpu.vector_store_idx %arg8[%add3A_107], %broadcast_in_dim3A_53 masked %eq3A_78 {add = true} : memref<16384xf32, #tpu.memory_space<vmem>>[vector<16xi32>], vector<16xf32>, vector<16xi1>
    %get3A_108 = arith.constant 0 : i32
    %get3A_109 = arith.index_cast %get3A_108 : i32 to index
    %get3A_110 = arith.constant 96 : index
    %get3A_111 = tpu.vector_load %arg6[%get3A_109, %get3A_110] {strides = array<i32>} : memref<2x128xi32, #tpu.memory_space<vmem>>, vector<16xi32>,
    %add3A_112 = arith.addi %get3A_111, %mul3A_51 : vector<16xi32>
    tpu.vector_store_idx %arg8[%add3A_112], %broadcast_in_dim3A_53 masked %eq3A_57 {add = true} : memref<16384xf32, #tpu.memory_space<vmem>>[vector<16xi32>], vector<16xf32>, vector<16xi1>
    tpu.vector_store_idx %arg8[%add3A_112], %broadcast_in_dim3A_53 masked %eq3A_60 {add = true} : memref<16384xf32, #tpu.memory_space<vmem>>[vector<16xi32>], vector<16xf32>, vector<16xi1>
    tpu.vector_store_idx %arg8[%add3A_112], %broadcast_in_dim3A_53 masked %eq3A_63 {add = true} : memref<16384xf32, #tpu.memory_space<vmem>>[vector<16xi32>], vector<16xf32>, vector<16xi1>
    tpu.vector_store_idx %arg8[%add3A_112], %broadcast_in_dim3A_53 masked %eq3A_66 {add = true} : memref<16384xf32, #tpu.memory_space<vmem>>[vector<16xi32>], vector<16xf32>, vector<16xi1>
    tpu.vector_store_idx %arg8[%add3A_112], %broadcast_in_dim3A_53 masked %eq3A_69 {add = true} : memref<16384xf32, #tpu.memory_space<vmem>>[vector<16xi32>], vector<16xf32>, vector<16xi1>
    tpu.vector_store_idx %arg8[%add3A_112], %broadcast_in_dim3A_53 masked %eq3A_72 {add = true} : memref<16384xf32, #tpu.memory_space<vmem>>[vector<16xi32>], vector<16xf32>, vector<16xi1>
    tpu.vector_store_idx %arg8[%add3A_112], %broadcast_in_dim3A_53 masked %eq3A_75 {add = true} : memref<16384xf32, #tpu.memory_space<vmem>>[vector<16xi32>], vector<16xf32>, vector<16xi1>
    tpu.vector_store_idx %arg8[%add3A_112], %broadcast_in_dim3A_53 masked %eq3A_78 {add = true} : memref<16384xf32, #tpu.memory_space<vmem>>[vector<16xi32>], vector<16xf32>, vector<16xi1>
    %get3A_113 = arith.constant 0 : i32
    %get3A_114 = arith.index_cast %get3A_113 : i32 to index
    %get3A_115 = arith.constant 112 : index
    %get3A_116 = tpu.vector_load %arg6[%get3A_114, %get3A_115] {strides = array<i32>} : memref<2x128xi32, #tpu.memory_space<vmem>>, vector<16xi32>,
    %add3A_117 = arith.addi %get3A_116, %mul3A_51 : vector<16xi32>
    tpu.vector_store_idx %arg8[%add3A_117], %broadcast_in_dim3A_53 masked %eq3A_57 {add = true} : memref<16384xf32, #tpu.memory_space<vmem>>[vector<16xi32>], vector<16xf32>, vector<16xi1>
    tpu.vector_store_idx %arg8[%add3A_117], %broadcast_in_dim3A_53 masked %eq3A_60 {add = true} : memref<16384xf32, #tpu.memory_space<vmem>>[vector<16xi32>], vector<16xf32>, vector<16xi1>
    tpu.vector_store_idx %arg8[%add3A_117], %broadcast_in_dim3A_53 masked %eq3A_63 {add = true} : memref<16384xf32, #tpu.memory_space<vmem>>[vector<16xi32>], vector<16xf32>, vector<16xi1>
    tpu.vector_store_idx %arg8[%add3A_117], %broadcast_in_dim3A_53 masked %eq3A_66 {add = true} : memref<16384xf32, #tpu.memory_space<vmem>>[vector<16xi32>], vector<16xf32>, vector<16xi1>
    tpu.vector_store_idx %arg8[%add3A_117], %broadcast_in_dim3A_53 masked %eq3A_69 {add = true} : memref<16384xf32, #tpu.memory_space<vmem>>[vector<16xi32>], vector<16xf32>, vector<16xi1>
    tpu.vector_store_idx %arg8[%add3A_117], %broadcast_in_dim3A_53 masked %eq3A_72 {add = true} : memref<16384xf32, #tpu.memory_space<vmem>>[vector<16xi32>], vector<16xf32>, vector<16xi1>
    tpu.vector_store_idx %arg8[%add3A_117], %broadcast_in_dim3A_53 masked %eq3A_75 {add = true} : memref<16384xf32, #tpu.memory_space<vmem>>[vector<16xi32>], vector<16xf32>, vector<16xi1>
    tpu.vector_store_idx %arg8[%add3A_117], %broadcast_in_dim3A_53 masked %eq3A_78 {add = true} : memref<16384xf32, #tpu.memory_space<vmem>>[vector<16xi32>], vector<16xf32>, vector<16xi1>
    %get3A_118 = arith.constant 1 : i32
    %get3A_119 = arith.index_cast %get3A_118 : i32 to index
    %get3A_120 = arith.constant 0 : index
    %get3A_121 = tpu.vector_load %arg6[%get3A_119, %get3A_120] {strides = array<i32>} : memref<2x128xi32, #tpu.memory_space<vmem>>, vector<16xi32>,
    %add3A_122 = arith.addi %get3A_121, %mul3A_51 : vector<16xi32>
    tpu.vector_store_idx %arg8[%add3A_122], %broadcast_in_dim3A_53 masked %eq3A_57 {add = true} : memref<16384xf32, #tpu.memory_space<vmem>>[vector<16xi32>], vector<16xf32>, vector<16xi1>
    tpu.vector_store_idx %arg8[%add3A_122], %broadcast_in_dim3A_53 masked %eq3A_60 {add = true} : memref<16384xf32, #tpu.memory_space<vmem>>[vector<16xi32>], vector<16xf32>, vector<16xi1>
    tpu.vector_store_idx %arg8[%add3A_122], %broadcast_in_dim3A_53 masked %eq3A_63 {add = true} : memref<16384xf32, #tpu.memory_space<vmem>>[vector<16xi32>], vector<16xf32>, vector<16xi1>
    tpu.vector_store_idx %arg8[%add3A_122], %broadcast_in_dim3A_53 masked %eq3A_66 {add = true} : memref<16384xf32, #tpu.memory_space<vmem>>[vector<16xi32>], vector<16xf32>, vector<16xi1>
    tpu.vector_store_idx %arg8[%add3A_122], %broadcast_in_dim3A_53 masked %eq3A_69 {add = true} : memref<16384xf32, #tpu.memory_space<vmem>>[vector<16xi32>], vector<16xf32>, vector<16xi1>
    tpu.vector_store_idx %arg8[%add3A_122], %broadcast_in_dim3A_53 masked %eq3A_72 {add = true} : memref<16384xf32, #tpu.memory_space<vmem>>[vector<16xi32>], vector<16xf32>, vector<16xi1>
    tpu.vector_store_idx %arg8[%add3A_122], %broadcast_in_dim3A_53 masked %eq3A_75 {add = true} : memref<16384xf32, #tpu.memory_space<vmem>>[vector<16xi32>], vector<16xf32>, vector<16xi1>
    tpu.vector_store_idx %arg8[%add3A_122], %broadcast_in_dim3A_53 masked %eq3A_78 {add = true} : memref<16384xf32, #tpu.memory_space<vmem>>[vector<16xi32>], vector<16xf32>, vector<16xi1>
    %get3A_123 = arith.constant 1 : i32
    %get3A_124 = arith.index_cast %get3A_123 : i32 to index
    %get3A_125 = arith.constant 16 : index
    %get3A_126 = tpu.vector_load %arg6[%get3A_124, %get3A_125] {strides = array<i32>} : memref<2x128xi32, #tpu.memory_space<vmem>>, vector<16xi32>,
    %add3A_127 = arith.addi %get3A_126, %mul3A_51 : vector<16xi32>
    tpu.vector_store_idx %arg8[%add3A_127], %broadcast_in_dim3A_53 masked %eq3A_57 {add = true} : memref<16384xf32, #tpu.memory_space<vmem>>[vector<16xi32>], vector<16xf32>, vector<16xi1>
    tpu.vector_store_idx %arg8[%add3A_127], %broadcast_in_dim3A_53 masked %eq3A_60 {add = true} : memref<16384xf32, #tpu.memory_space<vmem>>[vector<16xi32>], vector<16xf32>, vector<16xi1>
    tpu.vector_store_idx %arg8[%add3A_127], %broadcast_in_dim3A_53 masked %eq3A_63 {add = true} : memref<16384xf32, #tpu.memory_space<vmem>>[vector<16xi32>], vector<16xf32>, vector<16xi1>
    tpu.vector_store_idx %arg8[%add3A_127], %broadcast_in_dim3A_53 masked %eq3A_66 {add = true} : memref<16384xf32, #tpu.memory_space<vmem>>[vector<16xi32>], vector<16xf32>, vector<16xi1>
    tpu.vector_store_idx %arg8[%add3A_127], %broadcast_in_dim3A_53 masked %eq3A_69 {add = true} : memref<16384xf32, #tpu.memory_space<vmem>>[vector<16xi32>], vector<16xf32>, vector<16xi1>
    tpu.vector_store_idx %arg8[%add3A_127], %broadcast_in_dim3A_53 masked %eq3A_72 {add = true} : memref<16384xf32, #tpu.memory_space<vmem>>[vector<16xi32>], vector<16xf32>, vector<16xi1>
    tpu.vector_store_idx %arg8[%add3A_127], %broadcast_in_dim3A_53 masked %eq3A_75 {add = true} : memref<16384xf32, #tpu.memory_space<vmem>>[vector<16xi32>], vector<16xf32>, vector<16xi1>
    tpu.vector_store_idx %arg8[%add3A_127], %broadcast_in_dim3A_53 masked %eq3A_78 {add = true} : memref<16384xf32, #tpu.memory_space<vmem>>[vector<16xi32>], vector<16xf32>, vector<16xi1>
    %get3A_128 = arith.constant 1 : i32
    %get3A_129 = arith.index_cast %get3A_128 : i32 to index
    %get3A_130 = arith.constant 32 : index
    %get3A_131 = tpu.vector_load %arg6[%get3A_129, %get3A_130] {strides = array<i32>} : memref<2x128xi32, #tpu.memory_space<vmem>>, vector<16xi32>,
    %add3A_132 = arith.addi %get3A_131, %mul3A_51 : vector<16xi32>
    tpu.vector_store_idx %arg8[%add3A_132], %broadcast_in_dim3A_53 masked %eq3A_57 {add = true} : memref<16384xf32, #tpu.memory_space<vmem>>[vector<16xi32>], vector<16xf32>, vector<16xi1>
    tpu.vector_store_idx %arg8[%add3A_132], %broadcast_in_dim3A_53 masked %eq3A_60 {add = true} : memref<16384xf32, #tpu.memory_space<vmem>>[vector<16xi32>], vector<16xf32>, vector<16xi1>
    tpu.vector_store_idx %arg8[%add3A_132], %broadcast_in_dim3A_53 masked %eq3A_63 {add = true} : memref<16384xf32, #tpu.memory_space<vmem>>[vector<16xi32>], vector<16xf32>, vector<16xi1>
    tpu.vector_store_idx %arg8[%add3A_132], %broadcast_in_dim3A_53 masked %eq3A_66 {add = true} : memref<16384xf32, #tpu.memory_space<vmem>>[vector<16xi32>], vector<16xf32>, vector<16xi1>
    tpu.vector_store_idx %arg8[%add3A_132], %broadcast_in_dim3A_53 masked %eq3A_69 {add = true} : memref<16384xf32, #tpu.memory_space<vmem>>[vector<16xi32>], vector<16xf32>, vector<16xi1>
    tpu.vector_store_idx %arg8[%add3A_132], %broadcast_in_dim3A_53 masked %eq3A_72 {add = true} : memref<16384xf32, #tpu.memory_space<vmem>>[vector<16xi32>], vector<16xf32>, vector<16xi1>
    tpu.vector_store_idx %arg8[%add3A_132], %broadcast_in_dim3A_53 masked %eq3A_75 {add = true} : memref<16384xf32, #tpu.memory_space<vmem>>[vector<16xi32>], vector<16xf32>, vector<16xi1>
    tpu.vector_store_idx %arg8[%add3A_132], %broadcast_in_dim3A_53 masked %eq3A_78 {add = true} : memref<16384xf32, #tpu.memory_space<vmem>>[vector<16xi32>], vector<16xf32>, vector<16xi1>
    %get3A_133 = arith.constant 1 : i32
    %get3A_134 = arith.index_cast %get3A_133 : i32 to index
    %get3A_135 = arith.constant 48 : index
    %get3A_136 = tpu.vector_load %arg6[%get3A_134, %get3A_135] {strides = array<i32>} : memref<2x128xi32, #tpu.memory_space<vmem>>, vector<16xi32>,
    %add3A_137 = arith.addi %get3A_136, %mul3A_51 : vector<16xi32>
    tpu.vector_store_idx %arg8[%add3A_137], %broadcast_in_dim3A_53 masked %eq3A_57 {add = true} : memref<16384xf32, #tpu.memory_space<vmem>>[vector<16xi32>], vector<16xf32>, vector<16xi1>
    tpu.vector_store_idx %arg8[%add3A_137], %broadcast_in_dim3A_53 masked %eq3A_60 {add = true} : memref<16384xf32, #tpu.memory_space<vmem>>[vector<16xi32>], vector<16xf32>, vector<16xi1>
    tpu.vector_store_idx %arg8[%add3A_137], %broadcast_in_dim3A_53 masked %eq3A_63 {add = true} : memref<16384xf32, #tpu.memory_space<vmem>>[vector<16xi32>], vector<16xf32>, vector<16xi1>
    tpu.vector_store_idx %arg8[%add3A_137], %broadcast_in_dim3A_53 masked %eq3A_66 {add = true} : memref<16384xf32, #tpu.memory_space<vmem>>[vector<16xi32>], vector<16xf32>, vector<16xi1>
    tpu.vector_store_idx %arg8[%add3A_137], %broadcast_in_dim3A_53 masked %eq3A_69 {add = true} : memref<16384xf32, #tpu.memory_space<vmem>>[vector<16xi32>], vector<16xf32>, vector<16xi1>
    tpu.vector_store_idx %arg8[%add3A_137], %broadcast_in_dim3A_53 masked %eq3A_72 {add = true} : memref<16384xf32, #tpu.memory_space<vmem>>[vector<16xi32>], vector<16xf32>, vector<16xi1>
    tpu.vector_store_idx %arg8[%add3A_137], %broadcast_in_dim3A_53 masked %eq3A_75 {add = true} : memref<16384xf32, #tpu.memory_space<vmem>>[vector<16xi32>], vector<16xf32>, vector<16xi1>
    tpu.vector_store_idx %arg8[%add3A_137], %broadcast_in_dim3A_53 masked %eq3A_78 {add = true} : memref<16384xf32, #tpu.memory_space<vmem>>[vector<16xi32>], vector<16xf32>, vector<16xi1>
    %get3A_138 = arith.constant 1 : i32
    %get3A_139 = arith.index_cast %get3A_138 : i32 to index
    %get3A_140 = arith.constant 64 : index
    %get3A_141 = tpu.vector_load %arg6[%get3A_139, %get3A_140] {strides = array<i32>} : memref<2x128xi32, #tpu.memory_space<vmem>>, vector<16xi32>,
    %add3A_142 = arith.addi %get3A_141, %mul3A_51 : vector<16xi32>
    tpu.vector_store_idx %arg8[%add3A_142], %broadcast_in_dim3A_53 masked %eq3A_57 {add = true} : memref<16384xf32, #tpu.memory_space<vmem>>[vector<16xi32>], vector<16xf32>, vector<16xi1>
    tpu.vector_store_idx %arg8[%add3A_142], %broadcast_in_dim3A_53 masked %eq3A_60 {add = true} : memref<16384xf32, #tpu.memory_space<vmem>>[vector<16xi32>], vector<16xf32>, vector<16xi1>
    tpu.vector_store_idx %arg8[%add3A_142], %broadcast_in_dim3A_53 masked %eq3A_63 {add = true} : memref<16384xf32, #tpu.memory_space<vmem>>[vector<16xi32>], vector<16xf32>, vector<16xi1>
    tpu.vector_store_idx %arg8[%add3A_142], %broadcast_in_dim3A_53 masked %eq3A_66 {add = true} : memref<16384xf32, #tpu.memory_space<vmem>>[vector<16xi32>], vector<16xf32>, vector<16xi1>
    tpu.vector_store_idx %arg8[%add3A_142], %broadcast_in_dim3A_53 masked %eq3A_69 {add = true} : memref<16384xf32, #tpu.memory_space<vmem>>[vector<16xi32>], vector<16xf32>, vector<16xi1>
    tpu.vector_store_idx %arg8[%add3A_142], %broadcast_in_dim3A_53 masked %eq3A_72 {add = true} : memref<16384xf32, #tpu.memory_space<vmem>>[vector<16xi32>], vector<16xf32>, vector<16xi1>
    tpu.vector_store_idx %arg8[%add3A_142], %broadcast_in_dim3A_53 masked %eq3A_75 {add = true} : memref<16384xf32, #tpu.memory_space<vmem>>[vector<16xi32>], vector<16xf32>, vector<16xi1>
    tpu.vector_store_idx %arg8[%add3A_142], %broadcast_in_dim3A_53 masked %eq3A_78 {add = true} : memref<16384xf32, #tpu.memory_space<vmem>>[vector<16xi32>], vector<16xf32>, vector<16xi1>
    %get3A_143 = arith.constant 1 : i32
    %get3A_144 = arith.index_cast %get3A_143 : i32 to index
    %get3A_145 = arith.constant 80 : index
    %get3A_146 = tpu.vector_load %arg6[%get3A_144, %get3A_145] {strides = array<i32>} : memref<2x128xi32, #tpu.memory_space<vmem>>, vector<16xi32>,
    %add3A_147 = arith.addi %get3A_146, %mul3A_51 : vector<16xi32>
    tpu.vector_store_idx %arg8[%add3A_147], %broadcast_in_dim3A_53 masked %eq3A_57 {add = true} : memref<16384xf32, #tpu.memory_space<vmem>>[vector<16xi32>], vector<16xf32>, vector<16xi1>
    tpu.vector_store_idx %arg8[%add3A_147], %broadcast_in_dim3A_53 masked %eq3A_60 {add = true} : memref<16384xf32, #tpu.memory_space<vmem>>[vector<16xi32>], vector<16xf32>, vector<16xi1>
    tpu.vector_store_idx %arg8[%add3A_147], %broadcast_in_dim3A_53 masked %eq3A_63 {add = true} : memref<16384xf32, #tpu.memory_space<vmem>>[vector<16xi32>], vector<16xf32>, vector<16xi1>
    tpu.vector_store_idx %arg8[%add3A_147], %broadcast_in_dim3A_53 masked %eq3A_66 {add = true} : memref<16384xf32, #tpu.memory_space<vmem>>[vector<16xi32>], vector<16xf32>, vector<16xi1>
    tpu.vector_store_idx %arg8[%add3A_147], %broadcast_in_dim3A_53 masked %eq3A_69 {add = true} : memref<16384xf32, #tpu.memory_space<vmem>>[vector<16xi32>], vector<16xf32>, vector<16xi1>
    tpu.vector_store_idx %arg8[%add3A_147], %broadcast_in_dim3A_53 masked %eq3A_72 {add = true} : memref<16384xf32, #tpu.memory_space<vmem>>[vector<16xi32>], vector<16xf32>, vector<16xi1>
    tpu.vector_store_idx %arg8[%add3A_147], %broadcast_in_dim3A_53 masked %eq3A_75 {add = true} : memref<16384xf32, #tpu.memory_space<vmem>>[vector<16xi32>], vector<16xf32>, vector<16xi1>
    tpu.vector_store_idx %arg8[%add3A_147], %broadcast_in_dim3A_53 masked %eq3A_78 {add = true} : memref<16384xf32, #tpu.memory_space<vmem>>[vector<16xi32>], vector<16xf32>, vector<16xi1>
    %get3A_148 = arith.constant 1 : i32
    %get3A_149 = arith.index_cast %get3A_148 : i32 to index
    %get3A_150 = arith.constant 96 : index
    %get3A_151 = tpu.vector_load %arg6[%get3A_149, %get3A_150] {strides = array<i32>} : memref<2x128xi32, #tpu.memory_space<vmem>>, vector<16xi32>,
    %add3A_152 = arith.addi %get3A_151, %mul3A_51 : vector<16xi32>
    tpu.vector_store_idx %arg8[%add3A_152], %broadcast_in_dim3A_53 masked %eq3A_57 {add = true} : memref<16384xf32, #tpu.memory_space<vmem>>[vector<16xi32>], vector<16xf32>, vector<16xi1>
    tpu.vector_store_idx %arg8[%add3A_152], %broadcast_in_dim3A_53 masked %eq3A_60 {add = true} : memref<16384xf32, #tpu.memory_space<vmem>>[vector<16xi32>], vector<16xf32>, vector<16xi1>
    tpu.vector_store_idx %arg8[%add3A_152], %broadcast_in_dim3A_53 masked %eq3A_63 {add = true} : memref<16384xf32, #tpu.memory_space<vmem>>[vector<16xi32>], vector<16xf32>, vector<16xi1>
    tpu.vector_store_idx %arg8[%add3A_152], %broadcast_in_dim3A_53 masked %eq3A_66 {add = true} : memref<16384xf32, #tpu.memory_space<vmem>>[vector<16xi32>], vector<16xf32>, vector<16xi1>
    tpu.vector_store_idx %arg8[%add3A_152], %broadcast_in_dim3A_53 masked %eq3A_69 {add = true} : memref<16384xf32, #tpu.memory_space<vmem>>[vector<16xi32>], vector<16xf32>, vector<16xi1>
    tpu.vector_store_idx %arg8[%add3A_152], %broadcast_in_dim3A_53 masked %eq3A_72 {add = true} : memref<16384xf32, #tpu.memory_space<vmem>>[vector<16xi32>], vector<16xf32>, vector<16xi1>
    tpu.vector_store_idx %arg8[%add3A_152], %broadcast_in_dim3A_53 masked %eq3A_75 {add = true} : memref<16384xf32, #tpu.memory_space<vmem>>[vector<16xi32>], vector<16xf32>, vector<16xi1>
    tpu.vector_store_idx %arg8[%add3A_152], %broadcast_in_dim3A_53 masked %eq3A_78 {add = true} : memref<16384xf32, #tpu.memory_space<vmem>>[vector<16xi32>], vector<16xf32>, vector<16xi1>
    %get3A_153 = arith.constant 1 : i32
    %get3A_154 = arith.index_cast %get3A_153 : i32 to index
    %get3A_155 = arith.constant 112 : index
    %get3A_156 = tpu.vector_load %arg6[%get3A_154, %get3A_155] {strides = array<i32>} : memref<2x128xi32, #tpu.memory_space<vmem>>, vector<16xi32>,
    %add3A_157 = arith.addi %get3A_156, %mul3A_51 : vector<16xi32>
    tpu.vector_store_idx %arg8[%add3A_157], %broadcast_in_dim3A_53 masked %eq3A_57 {add = true} : memref<16384xf32, #tpu.memory_space<vmem>>[vector<16xi32>], vector<16xf32>, vector<16xi1>
    tpu.vector_store_idx %arg8[%add3A_157], %broadcast_in_dim3A_53 masked %eq3A_60 {add = true} : memref<16384xf32, #tpu.memory_space<vmem>>[vector<16xi32>], vector<16xf32>, vector<16xi1>
    tpu.vector_store_idx %arg8[%add3A_157], %broadcast_in_dim3A_53 masked %eq3A_63 {add = true} : memref<16384xf32, #tpu.memory_space<vmem>>[vector<16xi32>], vector<16xf32>, vector<16xi1>
    tpu.vector_store_idx %arg8[%add3A_157], %broadcast_in_dim3A_53 masked %eq3A_66 {add = true} : memref<16384xf32, #tpu.memory_space<vmem>>[vector<16xi32>], vector<16xf32>, vector<16xi1>
    tpu.vector_store_idx %arg8[%add3A_157], %broadcast_in_dim3A_53 masked %eq3A_69 {add = true} : memref<16384xf32, #tpu.memory_space<vmem>>[vector<16xi32>], vector<16xf32>, vector<16xi1>
    tpu.vector_store_idx %arg8[%add3A_157], %broadcast_in_dim3A_53 masked %eq3A_72 {add = true} : memref<16384xf32, #tpu.memory_space<vmem>>[vector<16xi32>], vector<16xf32>, vector<16xi1>
    tpu.vector_store_idx %arg8[%add3A_157], %broadcast_in_dim3A_53 masked %eq3A_75 {add = true} : memref<16384xf32, #tpu.memory_space<vmem>>[vector<16xi32>], vector<16xf32>, vector<16xi1>
    tpu.vector_store_idx %arg8[%add3A_157], %broadcast_in_dim3A_53 masked %eq3A_78 {add = true} : memref<16384xf32, #tpu.memory_space<vmem>>[vector<16xi32>], vector<16xf32>, vector<16xi1>
    %scan3A_158 = arith.constant 0 : i32
    %scan3A_159 = arith.constant 0 : i32
    %scan3A_160 = arith.constant 64 : i32
    %scan3A_161 = arith.addi %scan3A_159, %scan3A_160 : i32
    %scan3A_162 = arith.constant 1 : i32
    scf.for %scan3A_166 = %scan3A_159 to %scan3A_161 step %scan3A_162  : i32 {
      %mul3A_167 = arith.constant 8 : i32
      %mul3A_168 = arith.muli %scan3A_166, %mul3A_167 : i32
      %add3A_169 = arith.constant 0 : i32
      %add3A_170 = arith.addi %mul3A_168, %add3A_169 : i32
      %mul3A_171 = arith.constant 16 : i32
      %mul3A_172 = arith.muli %add3A_170, %mul3A_171 : i32
      %get3A_173 = arith.index_cast %mul3A_172 : i32 to index
      %get3A_174 = tpu.vector_load %arg8[%get3A_173] {strides = array<i32>} : memref<16384xf32, #tpu.memory_space<vmem>>, vector<16xf32>,
      %add3A_175 = arith.constant 8192 : i32
      %add3A_176 = arith.addi %add3A_175, %mul3A_172 : i32
      %get3A_177 = arith.index_cast %add3A_176 : i32 to index
      %get3A_178 = tpu.vector_load %arg8[%get3A_177] {strides = array<i32>} : memref<16384xf32, #tpu.memory_space<vmem>>, vector<16xf32>,
      %add3A_179 = arith.addf %get3A_174, %get3A_178 : vector<16xf32>
      %swap3A = arith.index_cast %mul3A_172 : i32 to index
      %swap3A_180 = tpu.vector_load %arg8[%swap3A] {strides = array<i32>} : memref<16384xf32, #tpu.memory_space<vmem>>, vector<16xf32>,
      tpu.vector_store %arg8[%swap3A], %add3A_179 {strides = array<i32>} : memref<16384xf32, #tpu.memory_space<vmem>>, vector<16xf32>,
      %mul3A_181 = arith.constant 8 : i32
      %mul3A_182 = arith.muli %scan3A_166, %mul3A_181 : i32
      %add3A_183 = arith.constant 1 : i32
      %add3A_184 = arith.addi %mul3A_182, %add3A_183 : i32
      %mul3A_185 = arith.constant 16 : i32
      %mul3A_186 = arith.muli %add3A_184, %mul3A_185 : i32
      %get3A_187 = arith.index_cast %mul3A_186 : i32 to index
      %get3A_188 = tpu.vector_load %arg8[%get3A_187] {strides = array<i32>} : memref<16384xf32, #tpu.memory_space<vmem>>, vector<16xf32>,
      %add3A_189 = arith.constant 8192 : i32
      %add3A_190 = arith.addi %add3A_189, %mul3A_186 : i32
      %get3A_191 = arith.index_cast %add3A_190 : i32 to index
      %get3A_192 = tpu.vector_load %arg8[%get3A_191] {strides = array<i32>} : memref<16384xf32, #tpu.memory_space<vmem>>, vector<16xf32>,
      %add3A_193 = arith.addf %get3A_188, %get3A_192 : vector<16xf32>
      %swap3A_194 = arith.index_cast %mul3A_186 : i32 to index
      %swap3A_195 = tpu.vector_load %arg8[%swap3A_194] {strides = array<i32>} : memref<16384xf32, #tpu.memory_space<vmem>>, vector<16xf32>,
      tpu.vector_store %arg8[%swap3A_194], %add3A_193 {strides = array<i32>} : memref<16384xf32, #tpu.memory_space<vmem>>, vector<16xf32>,
      %mul3A_196 = arith.constant 8 : i32
      %mul3A_197 = arith.muli %scan3A_166, %mul3A_196 : i32
      %add3A_198 = arith.constant 2 : i32
      %add3A_199 = arith.addi %mul3A_197, %add3A_198 : i32
      %mul3A_200 = arith.constant 16 : i32
      %mul3A_201 = arith.muli %add3A_199, %mul3A_200 : i32
      %get3A_202 = arith.index_cast %mul3A_201 : i32 to index
      %get3A_203 = tpu.vector_load %arg8[%get3A_202] {strides = array<i32>} : memref<16384xf32, #tpu.memory_space<vmem>>, vector<16xf32>,
      %add3A_204 = arith.constant 8192 : i32
      %add3A_205 = arith.addi %add3A_204, %mul3A_201 : i32
      %get3A_206 = arith.index_cast %add3A_205 : i32 to index
      %get3A_207 = tpu.vector_load %arg8[%get3A_206] {strides = array<i32>} : memref<16384xf32, #tpu.memory_space<vmem>>, vector<16xf32>,
      %add3A_208 = arith.addf %get3A_203, %get3A_207 : vector<16xf32>
      %swap3A_209 = arith.index_cast %mul3A_201 : i32 to index
      %swap3A_210 = tpu.vector_load %arg8[%swap3A_209] {strides = array<i32>} : memref<16384xf32, #tpu.memory_space<vmem>>, vector<16xf32>,
      tpu.vector_store %arg8[%swap3A_209], %add3A_208 {strides = array<i32>} : memref<16384xf32, #tpu.memory_space<vmem>>, vector<16xf32>,
      %mul3A_211 = arith.constant 8 : i32
      %mul3A_212 = arith.muli %scan3A_166, %mul3A_211 : i32
      %add3A_213 = arith.constant 3 : i32
      %add3A_214 = arith.addi %mul3A_212, %add3A_213 : i32
      %mul3A_215 = arith.constant 16 : i32
      %mul3A_216 = arith.muli %add3A_214, %mul3A_215 : i32
      %get3A_217 = arith.index_cast %mul3A_216 : i32 to index
      %get3A_218 = tpu.vector_load %arg8[%get3A_217] {strides = array<i32>} : memref<16384xf32, #tpu.memory_space<vmem>>, vector<16xf32>,
      %add3A_219 = arith.constant 8192 : i32
      %add3A_220 = arith.addi %add3A_219, %mul3A_216 : i32
      %get3A_221 = arith.index_cast %add3A_220 : i32 to index
      %get3A_222 = tpu.vector_load %arg8[%get3A_221] {strides = array<i32>} : memref<16384xf32, #tpu.memory_space<vmem>>, vector<16xf32>,
      %add3A_223 = arith.addf %get3A_218, %get3A_222 : vector<16xf32>
      %swap3A_224 = arith.index_cast %mul3A_216 : i32 to index
      %swap3A_225 = tpu.vector_load %arg8[%swap3A_224] {strides = array<i32>} : memref<16384xf32, #tpu.memory_space<vmem>>, vector<16xf32>,
      tpu.vector_store %arg8[%swap3A_224], %add3A_223 {strides = array<i32>} : memref<16384xf32, #tpu.memory_space<vmem>>, vector<16xf32>,
      %mul3A_226 = arith.constant 8 : i32
      %mul3A_227 = arith.muli %scan3A_166, %mul3A_226 : i32
      %add3A_228 = arith.constant 4 : i32
      %add3A_229 = arith.addi %mul3A_227, %add3A_228 : i32
      %mul3A_230 = arith.constant 16 : i32
      %mul3A_231 = arith.muli %add3A_229, %mul3A_230 : i32
      %get3A_232 = arith.index_cast %mul3A_231 : i32 to index
      %get3A_233 = tpu.vector_load %arg8[%get3A_232] {strides = array<i32>} : memref<16384xf32, #tpu.memory_space<vmem>>, vector<16xf32>,
      %add3A_234 = arith.constant 8192 : i32
      %add3A_235 = arith.addi %add3A_234, %mul3A_231 : i32
      %get3A_236 = arith.index_cast %add3A_235 : i32 to index
      %get3A_237 = tpu.vector_load %arg8[%get3A_236] {strides = array<i32>} : memref<16384xf32, #tpu.memory_space<vmem>>, vector<16xf32>,
      %add3A_238 = arith.addf %get3A_233, %get3A_237 : vector<16xf32>
      %swap3A_239 = arith.index_cast %mul3A_231 : i32 to index
      %swap3A_240 = tpu.vector_load %arg8[%swap3A_239] {strides = array<i32>} : memref<16384xf32, #tpu.memory_space<vmem>>, vector<16xf32>,
      tpu.vector_store %arg8[%swap3A_239], %add3A_238 {strides = array<i32>} : memref<16384xf32, #tpu.memory_space<vmem>>, vector<16xf32>,
      %mul3A_241 = arith.constant 8 : i32
      %mul3A_242 = arith.muli %scan3A_166, %mul3A_241 : i32
      %add3A_243 = arith.constant 5 : i32
      %add3A_244 = arith.addi %mul3A_242, %add3A_243 : i32
      %mul3A_245 = arith.constant 16 : i32
      %mul3A_246 = arith.muli %add3A_244, %mul3A_245 : i32
      %get3A_247 = arith.index_cast %mul3A_246 : i32 to index
      %get3A_248 = tpu.vector_load %arg8[%get3A_247] {strides = array<i32>} : memref<16384xf32, #tpu.memory_space<vmem>>, vector<16xf32>,
      %add3A_249 = arith.constant 8192 : i32
      %add3A_250 = arith.addi %add3A_249, %mul3A_246 : i32
      %get3A_251 = arith.index_cast %add3A_250 : i32 to index
      %get3A_252 = tpu.vector_load %arg8[%get3A_251] {strides = array<i32>} : memref<16384xf32, #tpu.memory_space<vmem>>, vector<16xf32>,
      %add3A_253 = arith.addf %get3A_248, %get3A_252 : vector<16xf32>
      %swap3A_254 = arith.index_cast %mul3A_246 : i32 to index
      %swap3A_255 = tpu.vector_load %arg8[%swap3A_254] {strides = array<i32>} : memref<16384xf32, #tpu.memory_space<vmem>>, vector<16xf32>,
      tpu.vector_store %arg8[%swap3A_254], %add3A_253 {strides = array<i32>} : memref<16384xf32, #tpu.memory_space<vmem>>, vector<16xf32>,
      %mul3A_256 = arith.constant 8 : i32
      %mul3A_257 = arith.muli %scan3A_166, %mul3A_256 : i32
      %add3A_258 = arith.constant 6 : i32
      %add3A_259 = arith.addi %mul3A_257, %add3A_258 : i32
      %mul3A_260 = arith.constant 16 : i32
      %mul3A_261 = arith.muli %add3A_259, %mul3A_260 : i32
      %get3A_262 = arith.index_cast %mul3A_261 : i32 to index
      %get3A_263 = tpu.vector_load %arg8[%get3A_262] {strides = array<i32>} : memref<16384xf32, #tpu.memory_space<vmem>>, vector<16xf32>,
      %add3A_264 = arith.constant 8192 : i32
      %add3A_265 = arith.addi %add3A_264, %mul3A_261 : i32
      %get3A_266 = arith.index_cast %add3A_265 : i32 to index
      %get3A_267 = tpu.vector_load %arg8[%get3A_266] {strides = array<i32>} : memref<16384xf32, #tpu.memory_space<vmem>>, vector<16xf32>,
      %add3A_268 = arith.addf %get3A_263, %get3A_267 : vector<16xf32>
      %swap3A_269 = arith.index_cast %mul3A_261 : i32 to index
      %swap3A_270 = tpu.vector_load %arg8[%swap3A_269] {strides = array<i32>} : memref<16384xf32, #tpu.memory_space<vmem>>, vector<16xf32>,
      tpu.vector_store %arg8[%swap3A_269], %add3A_268 {strides = array<i32>} : memref<16384xf32, #tpu.memory_space<vmem>>, vector<16xf32>,
      %mul3A_271 = arith.constant 8 : i32
      %mul3A_272 = arith.muli %scan3A_166, %mul3A_271 : i32
      %add3A_273 = arith.constant 7 : i32
      %add3A_274 = arith.addi %mul3A_272, %add3A_273 : i32
      %mul3A_275 = arith.constant 16 : i32
      %mul3A_276 = arith.muli %add3A_274, %mul3A_275 : i32
      %get3A_277 = arith.index_cast %mul3A_276 : i32 to index
      %get3A_278 = tpu.vector_load %arg8[%get3A_277] {strides = array<i32>} : memref<16384xf32, #tpu.memory_space<vmem>>, vector<16xf32>,
      %add3A_279 = arith.constant 8192 : i32
      %add3A_280 = arith.addi %add3A_279, %mul3A_276 : i32
      %get3A_281 = arith.index_cast %add3A_280 : i32 to index
      %get3A_282 = tpu.vector_load %arg8[%get3A_281] {strides = array<i32>} : memref<16384xf32, #tpu.memory_space<vmem>>, vector<16xf32>,
      %add3A_283 = arith.addf %get3A_278, %get3A_282 : vector<16xf32>
      %swap3A_284 = arith.index_cast %mul3A_276 : i32 to index
      %swap3A_285 = tpu.vector_load %arg8[%swap3A_284] {strides = array<i32>} : memref<16384xf32, #tpu.memory_space<vmem>>, vector<16xf32>,
      tpu.vector_store %arg8[%swap3A_284], %add3A_283 {strides = array<i32>} : memref<16384xf32, #tpu.memory_space<vmem>>, vector<16xf32>,
    }
    %scan3A_163 = arith.constant 64 : i32
    %mul3A_164 = arith.constant 8192 : i32
    %mul3A_165 = arith.muli %add3A, %mul3A_164 : i32
    "tpu.region"() ({
      %run_scoped3A = tpu.sem_alloc : memref<!tpu.dma_semaphore, #tpu.memory_space<semaphore_mem>>
      %dma_start3A_166 = arith.constant 0 : i32
      %dma_start3A_167 = tpu.memref_slice %arg8[%dma_start3A_166] : memref<16384xf32, #tpu.memory_space<vmem>> -> memref<8192xf32, #tpu.memory_space<vmem>>
      %dma_start3A_168 = tpu.memref_slice %arg5[%mul3A_165] : memref<262144xf32, #tpu.memory_space<hbm>> -> memref<8192xf32, #tpu.memory_space<hbm>>
      %dma_start3A_169 = tpu.memref_slice %arg5[%mul3A_165] : memref<262144xf32, #tpu.memory_space<hbm>> -> memref<8192xf32, #tpu.memory_space<hbm>>
      %dma_start3A_170 = arith.constant 0 : i32
      %dma_start3A_171 = tpu.memref_slice %arg8[%dma_start3A_170] : memref<16384xf32, #tpu.memory_space<vmem>> -> memref<8192xf32, #tpu.memory_space<vmem>>
      tpu.enqueue_dma source(%dma_start3A_171 : memref<8192xf32, #tpu.memory_space<vmem>>) target(%dma_start3A_169 : memref<8192xf32, #tpu.memory_space<hbm>>) target_semaphore(%run_scoped3A : memref<!tpu.dma_semaphore, #tpu.memory_space<semaphore_mem>>)
      %dma_wait3A_172 = arith.constant 0 : i32
      %dma_wait3A_173 = tpu.memref_slice %arg8[%dma_wait3A_172] : memref<16384xf32, #tpu.memory_space<vmem>> -> memref<8192xf32, #tpu.memory_space<vmem>>
      %dma_wait3A_174 = tpu.memref_slice %arg5[%mul3A_165] : memref<262144xf32, #tpu.memory_space<hbm>> -> memref<8192xf32, #tpu.memory_space<hbm>>
      %dma_wait3A_175 = tpu.memref_slice %arg5[%mul3A_165] : memref<262144xf32, #tpu.memory_space<hbm>> -> memref<8192xf32, #tpu.memory_space<hbm>>
      %dma_wait3A_176 = arith.constant 0 : i32
      %dma_wait3A_177 = tpu.memref_slice %arg8[%dma_wait3A_176] : memref<16384xf32, #tpu.memory_space<vmem>> -> memref<8192xf32, #tpu.memory_space<vmem>>
      tpu.wait_dma2 semaphore(%run_scoped3A : memref<!tpu.dma_semaphore, #tpu.memory_space<semaphore_mem>>) src(%dma_wait3A_177 : memref<8192xf32, #tpu.memory_space<vmem>>) dst(%dma_wait3A_175 : memref<8192xf32, #tpu.memory_space<hbm>>)
      tpu.yield
    }) : () -> ()
    return
  }
}

module attributes {stable_mosaic.version = 14 : i64} {
  func.func @_vq_body(%arg0: i32, %arg1: memref<512x1xf32, #tpu.memory_space<vmem>>, %arg2: memref<8192xf32, #tpu.memory_space<vmem>>, %arg3: memref<512x32xf32, #tpu.memory_space<vmem>>, %arg4: memref<8192x32xf32, #tpu.memory_space<vmem>>, %arg5: memref<512xi32, #tpu.memory_space<vmem>>, %arg6: memref<8xf32, #tpu.memory_space<smem>>, %arg7: memref<1x8192xf32, #tpu.memory_space<vmem>>, %arg8: memref<1xf32, #tpu.memory_space<smem>>) attributes {dimension_semantics = [#tpu.dimension_semantics<arbitrary>], iteration_bounds = array<i64: 16>, scalar_prefetch = 0 : i64, scratch_operands = 2 : i64, tpu.core_type = #tpu.core_type<tc>, window_params = [{transform_indices = @transform_0, window_bounds = array<i64: 512, 1>}, {pipeline_mode = #tpu.pipeline_mode<synchronous>, transform_indices = @transform_1, window_bounds = array<i64: 8192>}, {transform_indices = @transform_2, window_bounds = array<i64: 512, 32>}, {pipeline_mode = #tpu.pipeline_mode<synchronous>, transform_indices = @transform_3, window_bounds = array<i64: 8192, 32>}, {transform_indices = @transform_4, window_bounds = array<i64: 512>}, {transform_indices = @transform_5, window_bounds = array<i64: 8>}]} {
    %get3A = arith.constant 0 : index
    %get3A_0 = arith.constant 0 : index
    %get3A_1 = vector.load %arg3[%get3A, %get3A_0] : memref<512x32xf32, #tpu.memory_space<vmem>>, vector<512x32xf32>
    %get3A_2 = arith.constant 0 : index
    %get3A_3 = arith.constant 0 : index
    %get3A_4 = vector.load %arg4[%get3A_2, %get3A_3] : memref<8192x32xf32, #tpu.memory_space<vmem>>, vector<8192x32xf32>
    %get3A_5 = arith.constant 0 : index
    %get3A_6 = arith.constant 0 : index
    %get3A_7 = vector.load %arg1[%get3A_5, %get3A_6] : memref<512x1xf32, #tpu.memory_space<vmem>>, vector<512x1xf32>
    %get3A_8 = arith.constant 0 : index
    %get3A_9 = vector.load %arg2[%get3A_8] : memref<8192xf32, #tpu.memory_space<vmem>>, vector<8192xf32>
    %dot_general3A = arith.constant dense<0.000000e+00> : vector<512x8192xf32>
    %dot_general3A_10 = tpu.matmul %get3A_1, %get3A_4, %dot_general3A {dimension_numbers = #tpu.dot_dimension_numbers<[1], [1], [0], [0], [0, 0, 1, 0], [], []>, transpose_lhs_hint = false} : vector<512x32xf32>, vector<8192x32xf32>, vector<512x8192xf32> -> vector<512x8192xf32>
    %broadcast_in_dim3A = vector.shape_cast %get3A_9 : vector<8192xf32> to vector<1x8192xf32>
    %add3A = vector.broadcast %get3A_7 : vector<512x1xf32> to vector<512x8192xf32>
    %add3A_11 = vector.broadcast %broadcast_in_dim3A : vector<1x8192xf32> to vector<512x8192xf32>
    %add3A_12 = arith.addf %add3A, %add3A_11 : vector<512x8192xf32>
    %mul3A = arith.constant 2.000000e+00 : f32
    %mul3A_13 = vector.broadcast %mul3A : f32 to vector<512x8192xf32>
    %mul3A_14 = arith.mulf %mul3A_13, %dot_general3A_10 : vector<512x8192xf32>
    %sub3A = arith.subf %add3A_12, %mul3A_14 : vector<512x8192xf32>
    %iota3A = tpu.iota {dimensions = array<i32: 1>} : vector<1x8192xi32>
    %convert_element_type3A = arith.sitofp %iota3A : vector<1x8192xi32> to vector<1x8192xf32>
    %reduce_min3A = arith.constant dense<0x7F800000> : vector<512xf32>
    %reduce_min3A_15 = vector.multi_reduction <minimumf>, %sub3A, %reduce_min3A [1] : vector<512x8192xf32> to vector<512xf32>
    %broadcast_in_dim3A_16 = vector.shape_cast %reduce_min3A_15 : vector<512xf32> to vector<512x1xf32>
    %eq3A = vector.broadcast %broadcast_in_dim3A_16 : vector<512x1xf32> to vector<512x8192xf32>
    %eq3A_17 = arith.cmpf oeq, %sub3A, %eq3A : vector<512x8192xf32>
    %jit3A = arith.constant 8.192000e+03 : f32
    %broadcast_in_dim3A_18 = vector.shape_cast %convert_element_type3A : vector<1x8192xf32> to vector<1x8192xf32>
    %broadcast_in_dim3A_19 = vector.broadcast %broadcast_in_dim3A_18 : vector<1x8192xf32> to vector<512x8192xf32>
    %broadcast_in_dim3A_20 = vector.broadcast %jit3A : f32 to vector<512x8192xf32>
    %select_n3A = arith.select %eq3A_17, %broadcast_in_dim3A_19, %broadcast_in_dim3A_20 : vector<512x8192xi1>, vector<512x8192xf32>
    %reduce_min3A_21 = arith.constant dense<0x7F800000> : vector<512xf32>
    %reduce_min3A_22 = vector.multi_reduction <minimumf>, %select_n3A, %reduce_min3A_21 [1] : vector<512x8192xf32> to vector<512xf32>
    %broadcast_in_dim3A_23 = vector.shape_cast %reduce_min3A_22 : vector<512xf32> to vector<512x1xf32>
    %convert_element_type3A_24 = arith.fptosi %broadcast_in_dim3A_23 : vector<512x1xf32> to vector<512x1xi32>
    %sub3A_25 = vector.broadcast %broadcast_in_dim3A_16 : vector<512x1xf32> to vector<512x8192xf32>
    %sub3A_26 = arith.subf %sub3A_25, %sub3A : vector<512x8192xf32>
    %exp3A = math.exp %sub3A_26 : vector<512x8192xf32>
    %reduce_sum3A = arith.constant dense<0.000000e+00> : vector<512xf32>
    %reduce_sum3A_27 = vector.multi_reduction <add>, %exp3A, %reduce_sum3A [1] : vector<512x8192xf32> to vector<512xf32>
    %div3A = arith.constant 1.000000e+00 : f32
    %div3A_28 = vector.broadcast %div3A : f32 to vector<512xf32>
    %div3A_29 = arith.divf %div3A_28, %reduce_sum3A_27 : vector<512xf32>
    %broadcast_in_dim3A_30 = vector.shape_cast %div3A_29 : vector<512xf32> to vector<1x512xf32>
    %dot_general3A_31 = arith.constant dense<0.000000e+00> : vector<1x8192xf32>
    %dot_general3A_32 = tpu.matmul %broadcast_in_dim3A_30, %exp3A, %dot_general3A_31 {dimension_numbers = #tpu.dot_dimension_numbers<[1], [0], [0], [1], [0, 0, 1, 1], [], []>, transpose_lhs_hint = false} : vector<1x512xf32>, vector<512x8192xf32>, vector<1x8192xf32> -> vector<1x8192xf32>
    %reduce_sum3A_33 = vector.shape_cast %broadcast_in_dim3A_16 : vector<512x1xf32> to vector<1x512x1xf32>
    %reduce_sum3A_34 = arith.constant dense<0.000000e+00> : vector<1xf32>
    %reduce_sum3A_35 = vector.multi_reduction <add>, %reduce_sum3A_33, %reduce_sum3A_34 [1, 2] : vector<1x512x1xf32> to vector<1xf32>
    %reduce_sum3A_36 = vector.shape_cast %reduce_sum3A_35 : vector<1xf32> to vector<1x1x1xf32>
    %reduce_sum3A_37 = vector.extract %reduce_sum3A_36[0, 0, 0] : f32 from vector<1x1x1xf32>
    %eq3A_38 = arith.constant 0 : i32
    %eq3A_39 = arith.cmpi eq, %arg0, %eq3A_38 : i32
    %convert_element_type3A_40 = arith.extui %eq3A_39 : i1 to i32
    %cond3A = arith.constant 0 : i32
    %cond3A_41 = arith.cmpi ne, %convert_element_type3A_40, %cond3A : i32
    scf.if %cond3A_41 {
      %swap3A_52 = arith.constant 0 : index
      %swap3A_53 = arith.constant 0 : index
      %swap3A_54 = vector.load %arg7[%swap3A_52, %swap3A_53] : memref<1x8192xf32, #tpu.memory_space<vmem>>, vector<1x8192xf32>
      tpu.vector_store %arg7[%swap3A_52, %swap3A_53], %dot_general3A_32 {strides = array<i32>} : memref<1x8192xf32, #tpu.memory_space<vmem>>, vector<1x8192xf32>,
      %swap3A_55 = arith.constant 0 : index
      %swap3A_56 = memref.load %arg8[%swap3A_55] : memref<1xf32, #tpu.memory_space<smem>>
      memref.store %reduce_sum3A_37, %arg8[%swap3A_55] : memref<1xf32, #tpu.memory_space<smem>>
    } else {
    }
    %gt3A = arith.constant 0 : i32
    %gt3A_42 = arith.cmpi sgt, %arg0, %gt3A : i32
    %convert_element_type3A_43 = arith.extui %gt3A_42 : i1 to i32
    %cond3A_44 = arith.constant 0 : i32
    %cond3A_45 = arith.cmpi ne, %convert_element_type3A_43, %cond3A_44 : i32
    scf.if %cond3A_45 {
      %get3A_52 = arith.constant 0 : index
      %get3A_53 = arith.constant 0 : index
      %get3A_54 = vector.load %arg7[%get3A_52, %get3A_53] : memref<1x8192xf32, #tpu.memory_space<vmem>>, vector<1x8192xf32>
      %add3A_55 = arith.addf %get3A_54, %dot_general3A_32 : vector<1x8192xf32>
      %swap3A_56 = arith.constant 0 : index
      %swap3A_57 = arith.constant 0 : index
      %swap3A_58 = vector.load %arg7[%swap3A_56, %swap3A_57] : memref<1x8192xf32, #tpu.memory_space<vmem>>, vector<1x8192xf32>
      tpu.vector_store %arg7[%swap3A_56, %swap3A_57], %add3A_55 {strides = array<i32>} : memref<1x8192xf32, #tpu.memory_space<vmem>>, vector<1x8192xf32>,
      %get3A_59 = arith.constant 0 : index
      %get3A_60 = memref.load %arg8[%get3A_59] : memref<1xf32, #tpu.memory_space<smem>>
      %add3A_61 = arith.addf %get3A_60, %reduce_sum3A_37 : f32
      %swap3A_62 = arith.constant 0 : index
      %swap3A_63 = memref.load %arg8[%swap3A_62] : memref<1xf32, #tpu.memory_space<smem>>
      memref.store %add3A_61, %arg8[%swap3A_62] : memref<1xf32, #tpu.memory_space<smem>>
    } else {
    }
    %squeeze3A = vector.shape_cast %convert_element_type3A_24 : vector<512x1xi32> to vector<512xi32>
    %swap3A = arith.constant 0 : index
    %swap3A_46 = vector.load %arg5[%swap3A] : memref<512xi32, #tpu.memory_space<vmem>>, vector<512xi32>
    tpu.vector_store %arg5[%swap3A], %squeeze3A {strides = array<i32>} : memref<512xi32, #tpu.memory_space<vmem>>, vector<512xi32>,
    %eq3A_47 = arith.constant 15 : i32
    %eq3A_48 = arith.cmpi eq, %arg0, %eq3A_47 : i32
    %convert_element_type3A_49 = arith.extui %eq3A_48 : i1 to i32
    %cond3A_50 = arith.constant 0 : i32
    %cond3A_51 = arith.cmpi ne, %convert_element_type3A_49, %cond3A_50 : i32
    scf.if %cond3A_51 {
      %get3A_52 = arith.constant 0 : index
      %get3A_53 = arith.constant 0 : index
      %get3A_54 = vector.load %arg7[%get3A_52, %get3A_53] : memref<1x8192xf32, #tpu.memory_space<vmem>>, vector<1x8192xf32>
      %div3A_55 = arith.constant 8.192000e+03 : f32
      %div3A_56 = vector.broadcast %div3A_55 : f32 to vector<1x8192xf32>
      %div3A_57 = arith.divf %get3A_54, %div3A_56 : vector<1x8192xf32>
      %add3A_58 = arith.constant 1.000000e-10 : f32
      %add3A_59 = vector.broadcast %add3A_58 : f32 to vector<1x8192xf32>
      %add3A_60 = arith.addf %div3A_57, %add3A_59 : vector<1x8192xf32>
      %log3A = math.log %add3A_60 : vector<1x8192xf32>
      %mul3A_61 = arith.mulf %div3A_57, %log3A : vector<1x8192xf32>
      %reduce_sum3A_62 = vector.shape_cast %mul3A_61 : vector<1x8192xf32> to vector<1x1x8192xf32>
      %reduce_sum3A_63 = arith.constant dense<0.000000e+00> : vector<1xf32>
      %reduce_sum3A_64 = vector.multi_reduction <add>, %reduce_sum3A_62, %reduce_sum3A_63 [1, 2] : vector<1x1x8192xf32> to vector<1xf32>
      %reduce_sum3A_65 = vector.shape_cast %reduce_sum3A_64 : vector<1xf32> to vector<1x1x1xf32>
      %reduce_sum3A_66 = vector.extract %reduce_sum3A_65[0, 0, 0] : f32 from vector<1x1x1xf32>
      %neg3A = arith.constant 0.000000e+00 : f32
      %neg3A_67 = arith.subf %neg3A, %reduce_sum3A_66 : f32
      %log3A_68 = arith.constant 8.192000e+03 : f32
      %log3A_69 = math.log %log3A_68 : f32
      %sub3A_70 = arith.subf %log3A_69, %neg3A_67 : f32
      %get3A_71 = arith.constant 0 : index
      %get3A_72 = memref.load %arg8[%get3A_71] : memref<1xf32, #tpu.memory_space<smem>>
      %div3A_73 = arith.constant 2.621440e+05 : f32
      %div3A_74 = arith.divf %get3A_72, %div3A_73 : f32
      %mul3A_75 = arith.constant 2.500000e-01 : f32
      %mul3A_76 = arith.mulf %div3A_74, %mul3A_75 : f32
      %add3A_77 = arith.addf %mul3A_76, %div3A_74 : f32
      %mul3A_78 = arith.constant 1.000000e-01 : f32
      %mul3A_79 = arith.mulf %mul3A_78, %sub3A_70 : f32
      %add3A_80 = arith.addf %add3A_77, %mul3A_79 : f32
      %swap3A_81 = arith.constant 0 : index
      %swap3A_82 = memref.load %arg6[%swap3A_81] : memref<8xf32, #tpu.memory_space<smem>>
      memref.store %add3A_80, %arg6[%swap3A_81] : memref<8xf32, #tpu.memory_space<smem>>
      %swap3A_83 = arith.constant 1 : index
      %swap3A_84 = memref.load %arg6[%swap3A_83] : memref<8xf32, #tpu.memory_space<smem>>
      memref.store %sub3A_70, %arg6[%swap3A_83] : memref<8xf32, #tpu.memory_space<smem>>
    } else {
    }
    return
  }
  func.func @transform_0(%arg0: i32) -> (i32, i32) {
    %c0_i32 = arith.constant 0 : i32
    %c0_i32_0 = arith.constant 0 : i32
    return %arg0, %c0_i32 : i32, i32
  }
  func.func @transform_1(%arg0: i32) -> i32 {
    %c0_i32 = arith.constant 0 : i32
    %c0_i32_0 = arith.constant 0 : i32
    return %c0_i32 : i32
  }
  func.func @transform_2(%arg0: i32) -> (i32, i32) {
    %c0_i32 = arith.constant 0 : i32
    %c0_i32_0 = arith.constant 0 : i32
    return %arg0, %c0_i32 : i32, i32
  }
  func.func @transform_3(%arg0: i32) -> (i32, i32) {
    %c0_i32 = arith.constant 0 : i32
    %c0_i32_0 = arith.constant 0 : i32
    %c0_i32_1 = arith.constant 0 : i32
    return %c0_i32, %c0_i32_0 : i32, i32
  }
  func.func @transform_4(%arg0: i32) -> i32 {
    %c0_i32 = arith.constant 0 : i32
    return %arg0 : i32
  }
  func.func @transform_5(%arg0: i32) -> i32 {
    %c0_i32 = arith.constant 0 : i32
    %c0_i32_0 = arith.constant 0 : i32
    return %c0_i32 : i32
  }
}

module attributes {stable_mosaic.version = 14 : i64} {
  func.func @_perp_body(%arg0: memref<32x8192xf32, #tpu.memory_space<vmem>>, %arg1: memref<1xf32, #tpu.memory_space<smem>>) attributes {dimension_semantics = [], scalar_prefetch = 0 : i64, scratch_operands = 0 : i64, tpu.core_type = #tpu.core_type<tc>} {
    %get3A = arith.constant 0 : index
    %get3A_0 = arith.constant 0 : index
    %get3A_1 = vector.load %arg0[%get3A, %get3A_0] : memref<32x8192xf32, #tpu.memory_space<vmem>>, vector<32x8192xf32>
    %reduce_sum3A = arith.constant dense<0.000000e+00> : vector<8192xf32>
    %reduce_sum3A_2 = vector.multi_reduction <add>, %get3A_1, %reduce_sum3A [0] : vector<32x8192xf32> to vector<8192xf32>
    %broadcast_in_dim3A = vector.shape_cast %reduce_sum3A_2 : vector<8192xf32> to vector<1x8192xf32>
    %div3A = arith.constant 8.192000e+03 : f32
    %div3A_3 = vector.broadcast %div3A : f32 to vector<1x8192xf32>
    %div3A_4 = arith.divf %broadcast_in_dim3A, %div3A_3 : vector<1x8192xf32>
    %add3A = arith.constant 1.000000e-10 : f32
    %add3A_5 = vector.broadcast %add3A : f32 to vector<1x8192xf32>
    %add3A_6 = arith.addf %div3A_4, %add3A_5 : vector<1x8192xf32>
    %log3A = math.log %add3A_6 : vector<1x8192xf32>
    %mul3A = arith.mulf %div3A_4, %log3A : vector<1x8192xf32>
    %reduce_sum3A_7 = vector.shape_cast %mul3A : vector<1x8192xf32> to vector<1x1x8192xf32>
    %reduce_sum3A_8 = arith.constant dense<0.000000e+00> : vector<1xf32>
    %reduce_sum3A_9 = vector.multi_reduction <add>, %reduce_sum3A_7, %reduce_sum3A_8 [1, 2] : vector<1x1x8192xf32> to vector<1xf32>
    %reduce_sum3A_10 = vector.shape_cast %reduce_sum3A_9 : vector<1xf32> to vector<1x1x1xf32>
    %reduce_sum3A_11 = vector.extract %reduce_sum3A_10[0, 0, 0] : f32 from vector<1x1x1xf32>
    %neg3A = arith.constant 0.000000e+00 : f32
    %neg3A_12 = arith.subf %neg3A, %reduce_sum3A_11 : f32
    %exp3A = math.exp %neg3A_12 : f32
    %swap3A = arith.constant 0 : index
    %swap3A_13 = memref.load %arg1[%swap3A] : memref<1xf32, #tpu.memory_space<smem>>
    memref.store %exp3A, %arg1[%swap3A] : memref<1xf32, #tpu.memory_space<smem>>
    return
  }
}

</mosaic_0001>

<sc_bundles>
// kernel: kernel.5.cloned.1.call-start
scs
__scs_entry_jumppad:
0x0: {  	(pc) =	sbr.rel $0x88, $3  }
0x1: {  	(tag) =	ssettag $0x0;
	lr =	simm.s32 $0x1  }
0x2: {  	[smem:$0x3F9F] =	sst lr;
	_ =	strace $0xD0000000  }
0x3: {  	_ = 	snop  }
0x4: {  	_ = 	snop  }
0x5: {  	_ = 	snop  }
0x6: {  	_ = 	snop  }
0x7: {  	_ = 	snop  }
__scs_overlays_trampoline_lowered:
0x8: {  	[smem:$0x3FAE] =	sst s0  }
0x9: {  	[smem:$0x3FAF] =	sst s1  }
0xa: {  	[smem:$0x3FB0] =	sst s2  }
0xb: {  	[smem:$0x3FB1] =	sst s3  }
0xc: {  	[smem:$0x3FB2] =	sst s4  }
0xd: {  	[smem:$0x3FB3] =	sst s5  }
0xe: {  	[smem:$0x3FB4] =	sst s6  }
0xf: {  	[smem:$0x3FB5] =	sst s7  }
0x10: {  	[smem:$0x3FB6] =	sst s8  }
0x11: {  	[smem:$0x3FB7] =	sst s9;
	s0 =	simm.s32 @!p0 $0x0  }
0x12: {  	s1 =	sld [smem:$0x3F9D];
	s0 =	simm.s32 @p0 $0x1  }
0x13: {  	[smem:$0x3FB8] =	sst s0;
	s0 =	simm.s32 @!p1 $0x0  }
0x14: {  	s2 =	sld [smem:$0x3F9C];
	s0 =	simm.s32 @p1 $0x1  }
0x15: {  	[smem:$0x3FB9] =	sst s0;
	s0 =	simm.s32 @!p2 $0x0  }
0x16: {  	s3 =	sld [smem:$0x3FDB];
	s0 =	simm.s32 @p2 $0x1  }
0x17: {  	s4 =	simm.s32 $0x1BF5;
	[smem:$0x3FBB] =	sst s0  }
0x18: {  	s0 =	sld [smem:$0x3F9E];
	_ =	swait.ge [sflag:s4], $0x0  }
0x19: {  	s7 =	sld [smem:$0x3F9F]  }
0x1a: {  	s8 =	sadd.s32 $0xFFFFE003, lr  }
0x1b: {  	s9 =	sadd.s32 $0xFFFFFEF7, lr;
	s5 =	simm.s32 $0xFFFFFFFF;
	p2 =	slt.u32 s8, $0xFFFFF086  }
0x1c: {  	p1 =	slt.u32 s9, $0xF7A;
	s5 =	simm.s32 @!p2 $0x0  }
0x1d: {  	s5 =	simm.s32 @p1 $0x1;
	p0 =	seq.s32 s7, s2  }
0x1e: {  	s7 =	smul.u32 @!p0 $0xF7A, s2;
	p2 =	seq.s32 @!p0 s5, $0x0  }
0x1f: {  	s9 =	smul.u32 $0xF7A, s1;
	s8 =	simm.s32 @!p0 $0x1BF5;
	p2 =	por !p2, p0  }
0x20: {  	[sflag:s8] =	ssyncset.s32 @!p0 $0xFFFFF086;
	s6 =	sadd.s32 @!p0 s3, s7;
	s7 =	simm.s32 @!p0 $0x108  }
0x21: {  	s3 =	sadd.s32 s3, s9;
	s6 =	sadd.s32 @!p0 $0x88, s6;
	s7 =	simm.s32 @p2 $0x1082  }
0x22: {  	[simem:s7], [sflag:s8] =	dma.local @!p0 [hbm:s6], $0xF7A  }
0x23: {  	s9 =	sor.u32 $0xD0000000, s2;
	s6 =	simm.s32 $0x108;
	_ =	swait.ge @!p0 [sflag:s8], $0x0  }
0x24: {  	s3 =	sadd.s32 $0x88, s3;
	s6 =	simm.s32 @!p1 $0x1082;
	[sflag:s4] =	ssyncset.s32 $0xFFFFF086  }
0x25: {  	[simem:s6], [sflag:s4] =	dma.local [hbm:s3], $0xF7A  }
0x26: {  	[smem:$0x3F9F] =	sst s1;
	(tag) =	ssettag s2;
	_ =	strace s9  }
0x27: {  	s1 =	sld [smem:$0x3FAF]  }
0x28: {  	s2 =	sld [smem:$0x3FB0]  }
0x29: {  	s4 =	sld [smem:$0x3FB2]  }
0x2a: {  	p0 =	seq.s32 s5, $0x0;
	s5 =	sld [smem:$0x3FB3]  }
0x2b: {  	s6 =	sld [smem:$0x3FB4]  }
0x2c: {  	s7 =	sld [smem:$0x3FB5]  }
0x2d: {  	s3 =	simm.s32 $0x108;
	s8 =	sld [smem:$0x3FB6]  }
0x2e: {  	s3 =	simm.s32 @!p0 $0x1082;
	s9 =	sld [smem:$0x3FB7]  }
0x2f: {  	lr =	sadd.s32 s0, s3;
	s0 =	sld [smem:$0x3FAE]  }
0x30: {  	s3 =	sld [smem:$0x3FB1]  }
0x31: {  	[smem:$0x3FBA] =	sst s10  }
0x32: {  	s10 =	sld [smem:$0x3FB8];
	_ =	sdelay $0x3  }
0x33: {  	p0 =	seq.s32 s10, $0x1;
	s10 =	sld [smem:$0x3FBA];
	_ =	sdelay $0x3  }
0x34: {  	[smem:$0x3FBA] =	sst s10  }
0x35: {  	s10 =	sld [smem:$0x3FB9];
	_ =	sdelay $0x3  }
0x36: {  	p1 =	seq.s32 s10, $0x1;
	s10 =	sld [smem:$0x3FBA];
	_ =	sdelay $0x3  }
0x37: {  	[smem:$0x3FBA] =	sst s10  }
0x38: {  	s10 =	sld [smem:$0x3FBB]  }
0x39: {  	_ = 	snop;
	(pc) =	sbr.ind lr, $3  }
0x3a: {  	_ = 	snop  }
0x3b: {  	_ = 	snop  }
0x3c: {  	p2 =	seq.s32 s10, $0x1;
	s10 =	sld [smem:$0x3FBA]  }
0x3d: {  	_ =	shalt  }
0x3e: {  	_ =	shalt  }
0x3f: {  	_ =	shalt  }
0x40: {  	_ =	shalt  }
0x41: {  	_ =	shalt  }
0x42: {  	_ =	shalt  }
0x43: {  	_ =	shalt  }
0x44: {  	_ =	shalt  }
0x45: {  	_ =	shalt  }
0x46: {  	_ =	shalt  }
0x47: {  	_ =	shalt  }
0x48: {  	_ =	shalt  }
0x49: {  	_ =	shalt  }
0x4a: {  	_ =	shalt  }
0x4b: {  	_ =	shalt  }
0x4c: {  	_ =	shalt  }
0x4d: {  	_ =	shalt  }
0x4e: {  	_ =	shalt  }
0x4f: {  	_ =	shalt  }
0x50: {  	_ =	shalt  }
0x51: {  	_ =	shalt  }
0x52: {  	_ =	shalt  }
0x53: {  	_ =	shalt  }
0x54: {  	_ =	shalt  }
0x55: {  	_ =	shalt  }
0x56: {  	_ =	shalt  }
0x57: {  	_ =	shalt  }
0x58: {  	_ =	shalt  }
0x59: {  	_ =	shalt  }
0x5a: {  	_ =	shalt  }
0x5b: {  	_ =	shalt  }
0x5c: {  	_ =	shalt  }
0x5d: {  	_ =	shalt  }
0x5e: {  	_ =	shalt  }
0x5f: {  	_ =	shalt  }
0x60: {  	_ =	shalt  }
0x61: {  	_ =	shalt  }
0x62: {  	_ =	shalt  }
0x63: {  	_ =	shalt  }
0x64: {  	_ =	shalt  }
0x65: {  	_ =	shalt  }
0x66: {  	_ =	shalt  }
0x67: {  	_ =	shalt  }
0x68: {  	_ =	shalt  }
0x69: {  	_ =	shalt  }
0x6a: {  	_ =	shalt  }
0x6b: {  	_ =	shalt  }
0x6c: {  	_ =	shalt  }
0x6d: {  	_ =	shalt  }
0x6e: {  	_ =	shalt  }
0x6f: {  	_ =	shalt  }
0x70: {  	_ =	shalt  }
0x71: {  	_ =	shalt  }
0x72: {  	_ =	shalt  }
0x73: {  	_ =	shalt  }
0x74: {  	_ =	shalt  }
0x75: {  	_ =	shalt  }
0x76: {  	_ =	shalt  }
0x77: {  	_ =	shalt  }
0x78: {  	_ =	shalt  }
0x79: {  	_ =	shalt  }
0x7a: {  	_ =	shalt  }
0x7b: {  	_ =	shalt  }
0x7c: {  	_ =	shalt  }
0x7d: {  	_ =	shalt  }
0x7e: {  	_ =	shalt  }
0x7f: {  	_ =	shalt  }
0x80: {  	_ =	shalt  }
0x81: {  	_ =	shalt  }
0x82: {  	_ =	shalt  }
0x83: {  	_ =	shalt  }
0x84: {  	_ =	shalt  }
0x85: {  	_ =	shalt  }
0x86: {  	_ =	shalt  }
0x87: {  	_ =	shalt  }
.Lfunc_end0:
.L_simem_size_0:
called_computation_lowered:
.L_overlay_start_0:
0x88: {  	s2 =	sld [smem:$0x3FD9]  }
0x89: {  	s3 =	sld [smem:$0x3FFE];
	_ =	sdelay $0x1  }
0x8a: {  	s1 =	srdreg.scid  }
0x8b: {  	s0 =	sand.u32 $0x1, s1  }
0x8c: {  	s14 =	sshll.u32 s0, $0xA;
	s2 =	sadd.s32 s3, s2  }
0x8d: {  	s2 =	sadd.s32 s2, s14  }
0x8e: {  	[smem:$0x3FC6] =	sst s2  }
0x8f: {  	_ = 	snop  }
0x90: {  	s2 =	sld [smem:$0x3FD0];
	_ =	sdelay $0x2  }
0x91: {  	s15 =	simm.s32 $0xA;
	s4 =	simm.s32 $0x10  }
0x92: {  	[smem:s4], [sflag:s15] =	dma.local [hbm:s2], $0x1  }
0x93: {  	_ =	swait.eq [sflag:s15], $0x1  }
0x94: {  	[sflag:s15] =	ssyncset.done $0x0  }
0x95: {  	s16 =	sld [smem:$0x10];
	[sflag:s15] =	ssyncadd.s32 $0xFFFFFFFF  }
0x96: {  	s17 =	sld [smem:$0x13];
	(tm) =	ssettm $0x1  }
0x97: {  	s18 =	sld [smem:$0x3FFB];
	_ =	sdelay $0x3  }
0x98: {  	_ =	strace s18  }
0x99: {  	s4 =	sld [smem:$0x3FFC];
	_ =	sdelay $0x3  }
0x9a: {  	_ =	strace s4  }
0x9b: {  	s4 =	sld [smem:$0x3FFD];
	_ =	sdelay $0x3  }
0x9c: {  	_ =	strace s4  }
0x9d: {  	_ =	strace $0x8FFFFFFF  }
0x9e: {  	s19 =	sld [smem:$0x3FDB];
	_ =	sdelay $0x1  }
0x9f: {  	s5 =	simm.s32 $_scs_section_size  }
0xa0: {  	s6 =	simm.s32 $_size__tile_overlayer_lowered;
	s7 =	simm.s32 $_tile_overlayer_lowered  }
0xa1: {  	s22 =	simm.s32 $0x1BFF;
	s21 =	sshll.u32 s7, $0x1;
	s4 =	sadd.s32 s5, s19  }
0xa2: {  	s8 =	simm.s32 $0x0;
	s20 =	sshll.u32 s6, $0x1;
	s6 =	sadd.s32 s21, s4  }
0xa3: {  	[timem:s8], [sflag:s22] =	dma.local [hbm:s6], s20  }
0xa4: {  	_ =	swait.ge [sflag:s22], s20  }
0xa5: {  	s5 =	ssub.s32 $0x0, s20;
	[sflag:s22] =	ssyncset.done $0x0  }
0xa6: {  	[sflag:s22] =	ssyncadd.s32 s5;
	_ =	sdelay $0x1  }
0xa7: {  	s23 =	simm.s32 $0x1B8B  }
0xa8: {  	_ =	swait.ge [sflag:s23], $0x1  }
0xa9: {  	[sflag:s23] =	ssyncset.done $0x0  }
0xaa: {  	s25 =	simm.s32 $0x1B8E;
	s24 =	sld [smem:$0x3FFE];
	[sflag:s23] =	ssyncadd.s32 $0xFFFFFFFF  }
0xab: {  	s26 =	simm.s32 $execute0_lowered;
	[smem:$0x3FD2] =	sst s25  }
0xac: {  	s6 =	sshll.u32 s26, $0x1;
	_ =	strace $0x80000046;
	[dreg:$0x1] =	wrdreg $0xFFFFFFFF  }
0xad: {  	s28 =	simm.s32 $_size_execute0_lowered;
	s4 =	sadd.s32 s4, s6;
	[dreg:$0x0] =	wrdreg $0x0  }
0xae: {  	s6 =	sshll.u32 s28, $0x1;
	[dreg:$0x2] =	wrdreg s4  }
0xaf: {  	[dreg:$0x3] =	wrdreg s6  }
0xb0: {  	[dreg:$0x4] =	wrdreg $0xC0  }
0xb1: {  	_ =	task [dreg:s8], $0x5FFFF  }
0xb2: {  	[dreg:$0x1] =	wrdreg $0xFFFFFFFF  }
0xb3: {  	[dreg:$0x0] =	wrdreg $0x60  }
0xb4: {  	[dreg:$0x2] =	wrdreg s24  }
0xb5: {  	[dreg:$0x3] =	wrdreg s17  }
0xb6: {  	[dreg:$0x4] =	wrdreg s16  }
0xb7: {  	[dreg:$0x5] =	wrdreg $0x9  }
0xb8: {  	_ =	task.clear_ibuf [dreg:s8], $0x6FFFF;
	_ =	strace $0x90000046  }
0xb9: {  	s29 =	simm.s32 $0x9;
	_ =	strace $0x80000048  }
0xba: {  	_ =	swait.ge [sflag:s29], $0x1  }
0xbb: {  	[sflag:s29] =	ssyncadd.s32 $0xFFFFFFFF  }
0xbc: {  	_ =	strace $0x90000048  }
0xbd: {  	_ =	sfence  }
0xbe: {  	s30 =	sld [smem:$0x0];
	_ =	sdelay $0x2  }
0xbf: {  	s31 =	sshll.u32 s1, $0xD;
	s1 =	sshrl.u32 s1, $0x2  }
0xc0: {  	s3 =	sand.u32 $0x4000, s31;
	s1 =	sadd.s32 s1, s30  }
0xc1: {  	s0 =	sor.u32 s3, s0;
	s1 =	sshll.u32 s1, $0x11  }
0xc2: {  	s0 =	sor.u32 s1, s0  }
0xc3: {  	s0 =	sadd.s32 $0x8F2B, s0  }
0xc4: {  	[sflag:s0] =	ssyncadd.remote.s32 $0x1  }
0xc5: {  	_ =	sfence.sel $0xFFFF  }
0xc6: {  	[dreg:$0x0] =	wrdreg $0xFFFFFFFF;
	(pc) =	sbr.abs _section_cstart, $3  }
0xc7: {  	[dreg:$0x1] =	wrdreg $0xFFFFFFFF  }
0xc8: {  	_ =	task.clear_ibuf [dreg:s8], $0x2FFFF;
	_ =	strace $0x9FFFFFFF  }
0xc9: {  	(tm) =	ssettm $0x7FFFFFFF  }
tec
execute0_lowered:
.L_overlay_start_1:
0x0: {  	(tag) =	ssettag $0x1  }
0x1: {  	s4 =	rddreg [dreg:$0x0]  }
0x2: {  	s5 =	rddreg [dreg:$0x1]  }
0x3: {  	s7 =	rddreg [dreg:$0x2]  }
0x4: {  	s0 =	rddreg [dreg:$0x3]  }
0x5: {  	s2 =	simm.s32 $0x0;
	s3 =	srdreg.scid;
	s1 =	stileid.u32  }
0x6: {  	s11 =	simm.s32 $0x100;
	s12 =	simm.s32 $0x1;
	s13 =	simm.s32 $0x4100  }
0x7: {  	[smem:$0x7FF] =	sst s2;
	s3 =	sand.u32 $0x1, s3;
	s6 =	sshll.u32 s1, $0x1  }
0x8: {  	s14 =	simm.s32 $0x0;
	_ =	strace $0x80000047;
	s6 =	sor.u32 s3, s6  }
0x9: {  	s8 =	ssub.s32 $0x2, s3;
	s3 =	sadd.s32 $0x60800, s4;
	s9 =	sshll.u32 s6, $0xC  }
0xa: {  	v1 =	vlaneseq.u32;
	v0 =	vimm.f32 $0.0e+00;
	v2 =	vimm.f32 $1.000000000e+00;
	s10 =	sshrl.u32 s8, $0x1;
	s30 =	sshll.u32 s6, $0x5;
	s31 =	sshll.u32 s6, $0xA  }
0xb: {  	vm0 =	vcmask $0xF08;
	vm1 =	vcmask $0x1710;
	vm2 =	vcmask $0x1F18;
	s9 =	sadd.s32 s9, s4;
	s8 =	ssub.s32 s8, s10;
	s4 =	sadd.s32 s5, s30  }
0xc: {  	vm3 =	vcmask $0x2720;
	vm4 =	vcmask $0x2F28;
	v1 =	vand.u32 $0x1, v1;
	s7 =	sadd.s32 s7, s31;
	s10 =	simm.s32 $0x80;
	s5 =	sadd.s32 $0x800, s9  }
0xd: {  	vm5 =	vcmask $0x3730;
	vm6 =	vcmask $0x3F38;
	v1 =	vmul.u32 $0x2000, v1;
	s6 =	sadd.s32 $0x1000, s9;
	s8 =	smax.u32 s8, $0x1;
	s9 =	simm.s32 $0x2  }
.LBB2_1:
0xe: {  	[tilespmem:s2], [sflag:$0x2] =	stream.linear.gather [hbm4b:s4+s2], $0x100, $0x38;
	[tilespmem:$0x8100] =	vst v63  }
0xf: {  	_ =	swait.ge [sflag:s9], $0x100  }
0x10: {  	[sflag:s9] =	ssyncset.done $0x0  }
0x11: {  	s15 =	simm.s32 $0x0;
	s16 =	simm.s32 $0x200;
	[sflag:s9] =	ssyncadd.s32 $0xFFFFFF00  }
0x12: {  	[tilespmem:s11], [sflag:$0x1] =	stream.indirect.gather [hbm4b:s3+s10], $0x80, s2, s10, $0xb8;
	[tilespmem:$0x8100] =	vst v63  }
.LBB2_2:
0x13: {  	p0 =	sne.s32 s16, $0xFE00;
	[tilespmem:s15+$0x4170] =	vst v0  }
0x14: {  	[tilespmem:s15+$0x4100] =	vst v0  }
0x15: {  	[tilespmem:s15+$0x4110] =	vst v0  }
.Ltmp0:
0x16: {  	[tilespmem:s15+$0x4120] =	vst v0;
	(pc) =	sbr.rel @p0 .LBB2_2-.Ltmp0, $4  }
0x17: {  	[tilespmem:s15+$0x4130] =	vst v0  }
0x18: {  	[tilespmem:s15+$0x4140] =	vst v0  }
0x19: {  	[tilespmem:s15+$0x4150] =	vst v0  }
0x1a: {  	[tilespmem:s15+$0x4160] =	vst v0;
	s15 =	sshra.s32 s16, $0x2;
	s16 =	sadd.s32 $0x200, s16  }
0x1b: {  	[tilespmem:s15+$0x4170] =	vst v0  }
0x1c: {  	[tilespmem:s15+$0x4100] =	vst v0  }
0x1d: {  	[tilespmem:s15+$0x4110] =	vst v0  }
0x1e: {  	[tilespmem:s15+$0x4120] =	vst v0  }
0x1f: {  	[tilespmem:s15+$0x4130] =	vst v0  }
0x20: {  	[tilespmem:s15+$0x4140] =	vst v0  }
0x21: {  	[tilespmem:s15+$0x4150] =	vst v0  }
0x22: {  	[tilespmem:s15+$0x4160] =	vst v0  }
0x23: {  	_ =	swait.ge [sflag:s12], $0x4000  }
0x24: {  	[sflag:s12] =	ssyncset.done $0x0  }
0x25: {  	s31 =	simm.s32 $0x0;
	[sflag:s12] =	ssyncadd.s32 $0xFFFFC000  }
0x26: {  	[hbm4b:s5+s31] =	stream.linear.scatter [tilespmem:s11], [sflag:$0x2], $0x4000, $0x38;
	[tilespmem:$0x8100] =	vst v63  }
0x27: {  	_ =	swait.ge [sflag:s9], $0x4000  }
0x28: {  	[sflag:s9] =	ssyncset.done $0x0  }
0x29: {  	[sflag:s9] =	ssyncadd.s32 $0xFFFFC000  }
0x2a: {  	[tilespmem:s11], [sflag:$0x1] =	stream.indirect.gather [hbm4b:s3+s10], $0x80, s10, s10, $0xb8;
	[tilespmem:$0x8100] =	vst v63  }
0x2b: {  	_ =	swait.ge [sflag:s12], $0x4000  }
0x2c: {  	[sflag:s12] =	ssyncset.done $0x0  }
0x2d: {  	[sflag:s12] =	ssyncadd.s32 $0xFFFFC000  }
0x2e: {  	[hbm4b:s6+s31] =	stream.linear.scatter [tilespmem:s11], [sflag:$0x2], $0x4000, $0x38;
	[tilespmem:$0x8100] =	vst v63  }
0x2f: {  	_ =	swait.ge [sflag:s9], $0x4000  }
0x30: {  	[sflag:s9] =	ssyncset.done $0x0  }
0x31: {  	[sflag:s9] =	ssyncadd.s32 $0xFFFFC000  }
0x32: {  	v3 =	vld [tilespmem:$0x0];
	_ =	sdelay $0x4  }
0x33: {  	v3 =	vadd.s32 v1, v3;
	_ =	sdelay $0x4  }
0x34: {  	[tilespmem:v3+s13+$0x0] =	vst.idx.add.f32.msk $0x3, v2  }
0x35: {  	[tilespmem:v3+s13+$0x0] =	vst.idx.add.f32.msk vm0, v2  }
0x36: {  	[tilespmem:v3+s13+$0x0] =	vst.idx.add.f32.msk vm1, v2  }
0x37: {  	[tilespmem:v3+s13+$0x0] =	vst.idx.add.f32.msk vm2, v2  }
0x38: {  	[tilespmem:v3+s13+$0x0] =	vst.idx.add.f32.msk vm3, v2  }
0x39: {  	[tilespmem:v3+s13+$0x0] =	vst.idx.add.f32.msk vm4, v2  }
0x3a: {  	[tilespmem:v3+s13+$0x0] =	vst.idx.add.f32.msk vm5, v2  }
0x3b: {  	[tilespmem:v3+s13+$0x0] =	vst.idx.add.f32.msk vm6, v2  }
0x3c: {  	v3 =	vld [tilespmem:$0x10];
	_ =	sdelay $0x4  }
0x3d: {  	v3 =	vadd.s32 v1, v3;
	_ =	sdelay $0x4  }
0x3e: {  	[tilespmem:v3+s13+$0x0] =	vst.idx.add.f32.msk $0x3, v2  }
0x3f: {  	[tilespmem:v3+s13+$0x0] =	vst.idx.add.f32.msk vm0, v2  }
0x40: {  	[tilespmem:v3+s13+$0x0] =	vst.idx.add.f32.msk vm1, v2  }
0x41: {  	[tilespmem:v3+s13+$0x0] =	vst.idx.add.f32.msk vm2, v2  }
0x42: {  	[tilespmem:v3+s13+$0x0] =	vst.idx.add.f32.msk vm3, v2  }
0x43: {  	[tilespmem:v3+s13+$0x0] =	vst.idx.add.f32.msk vm4, v2  }
0x44: {  	[tilespmem:v3+s13+$0x0] =	vst.idx.add.f32.msk vm5, v2  }
0x45: {  	[tilespmem:v3+s13+$0x0] =	vst.idx.add.f32.msk vm6, v2  }
0x46: {  	v3 =	vld [tilespmem:$0x20];
	_ =	sdelay $0x4  }
0x47: {  	v3 =	vadd.s32 v1, v3;
	_ =	sdelay $0x4  }
0x48: {  	[tilespmem:v3+s13+$0x0] =	vst.idx.add.f32.msk $0x3, v2  }
0x49: {  	[tilespmem:v3+s13+$0x0] =	vst.idx.add.f32.msk vm0, v2  }
0x4a: {  	[tilespmem:v3+s13+$0x0] =	vst.idx.add.f32.msk vm1, v2  }
0x4b: {  	[tilespmem:v3+s13+$0x0] =	vst.idx.add.f32.msk vm2, v2  }
0x4c: {  	[tilespmem:v3+s13+$0x0] =	vst.idx.add.f32.msk vm3, v2  }
0x4d: {  	[tilespmem:v3+s13+$0x0] =	vst.idx.add.f32.msk vm4, v2  }
0x4e: {  	[tilespmem:v3+s13+$0x0] =	vst.idx.add.f32.msk vm5, v2  }
0x4f: {  	[tilespmem:v3+s13+$0x0] =	vst.idx.add.f32.msk vm6, v2  }
0x50: {  	v3 =	vld [tilespmem:$0x30];
	_ =	sdelay $0x4  }
0x51: {  	v3 =	vadd.s32 v1, v3;
	_ =	sdelay $0x4  }
0x52: {  	[tilespmem:v3+s13+$0x0] =	vst.idx.add.f32.msk $0x3, v2  }
0x53: {  	[tilespmem:v3+s13+$0x0] =	vst.idx.add.f32.msk vm0, v2  }
0x54: {  	[tilespmem:v3+s13+$0x0] =	vst.idx.add.f32.msk vm1, v2  }
0x55: {  	[tilespmem:v3+s13+$0x0] =	vst.idx.add.f32.msk vm2, v2  }
0x56: {  	[tilespmem:v3+s13+$0x0] =	vst.idx.add.f32.msk vm3, v2  }
0x57: {  	[tilespmem:v3+s13+$0x0] =	vst.idx.add.f32.msk vm4, v2  }
0x58: {  	[tilespmem:v3+s13+$0x0] =	vst.idx.add.f32.msk vm5, v2  }
0x59: {  	[tilespmem:v3+s13+$0x0] =	vst.idx.add.f32.msk vm6, v2  }
0x5a: {  	v3 =	vld [tilespmem:$0x40];
	_ =	sdelay $0x4  }
0x5b: {  	v3 =	vadd.s32 v1, v3;
	_ =	sdelay $0x4  }
0x5c: {  	[tilespmem:v3+s13+$0x0] =	vst.idx.add.f32.msk $0x3, v2  }
0x5d: {  	[tilespmem:v3+s13+$0x0] =	vst.idx.add.f32.msk vm0, v2  }
0x5e: {  	[tilespmem:v3+s13+$0x0] =	vst.idx.add.f32.msk vm1, v2  }
0x5f: {  	[tilespmem:v3+s13+$0x0] =	vst.idx.add.f32.msk vm2, v2  }
0x60: {  	[tilespmem:v3+s13+$0x0] =	vst.idx.add.f32.msk vm3, v2  }
0x61: {  	[tilespmem:v3+s13+$0x0] =	vst.idx.add.f32.msk vm4, v2  }
0x62: {  	[tilespmem:v3+s13+$0x0] =	vst.idx.add.f32.msk vm5, v2  }
0x63: {  	[tilespmem:v3+s13+$0x0] =	vst.idx.add.f32.msk vm6, v2  }
0x64: {  	v3 =	vld [tilespmem:$0x50];
	_ =	sdelay $0x4  }
0x65: {  	v3 =	vadd.s32 v1, v3;
	_ =	sdelay $0x4  }
0x66: {  	[tilespmem:v3+s13+$0x0] =	vst.idx.add.f32.msk $0x3, v2  }
0x67: {  	[tilespmem:v3+s13+$0x0] =	vst.idx.add.f32.msk vm0, v2  }
0x68: {  	[tilespmem:v3+s13+$0x0] =	vst.idx.add.f32.msk vm1, v2  }
0x69: {  	[tilespmem:v3+s13+$0x0] =	vst.idx.add.f32.msk vm2, v2  }
0x6a: {  	[tilespmem:v3+s13+$0x0] =	vst.idx.add.f32.msk vm3, v2  }
0x6b: {  	[tilespmem:v3+s13+$0x0] =	vst.idx.add.f32.msk vm4, v2  }
0x6c: {  	[tilespmem:v3+s13+$0x0] =	vst.idx.add.f32.msk vm5, v2  }
0x6d: {  	[tilespmem:v3+s13+$0x0] =	vst.idx.add.f32.msk vm6, v2  }
0x6e: {  	v3 =	vld [tilespmem:$0x60];
	_ =	sdelay $0x4  }
0x6f: {  	v3 =	vadd.s32 v1, v3;
	_ =	sdelay $0x4  }
0x70: {  	[tilespmem:v3+s13+$0x0] =	vst.idx.add.f32.msk $0x3, v2  }
0x71: {  	[tilespmem:v3+s13+$0x0] =	vst.idx.add.f32.msk vm0, v2  }
0x72: {  	[tilespmem:v3+s13+$0x0] =	vst.idx.add.f32.msk vm1, v2  }
0x73: {  	[tilespmem:v3+s13+$0x0] =	vst.idx.add.f32.msk vm2, v2  }
0x74: {  	[tilespmem:v3+s13+$0x0] =	vst.idx.add.f32.msk vm3, v2  }
0x75: {  	[tilespmem:v3+s13+$0x0] =	vst.idx.add.f32.msk vm4, v2  }
0x76: {  	[tilespmem:v3+s13+$0x0] =	vst.idx.add.f32.msk vm5, v2  }
0x77: {  	[tilespmem:v3+s13+$0x0] =	vst.idx.add.f32.msk vm6, v2  }
0x78: {  	v3 =	vld [tilespmem:$0x70];
	_ =	sdelay $0x4  }
0x79: {  	v3 =	vadd.s32 v1, v3;
	_ =	sdelay $0x4  }
0x7a: {  	[tilespmem:v3+s13+$0x0] =	vst.idx.add.f32.msk $0x3, v2  }
0x7b: {  	[tilespmem:v3+s13+$0x0] =	vst.idx.add.f32.msk vm0, v2  }
0x7c: {  	[tilespmem:v3+s13+$0x0] =	vst.idx.add.f32.msk vm1, v2  }
0x7d: {  	[tilespmem:v3+s13+$0x0] =	vst.idx.add.f32.msk vm2, v2  }
0x7e: {  	[tilespmem:v3+s13+$0x0] =	vst.idx.add.f32.msk vm3, v2  }
0x7f: {  	[tilespmem:v3+s13+$0x0] =	vst.idx.add.f32.msk vm4, v2  }
0x80: {  	[tilespmem:v3+s13+$0x0] =	vst.idx.add.f32.msk vm5, v2  }
0x81: {  	[tilespmem:v3+s13+$0x0] =	vst.idx.add.f32.msk vm6, v2  }
0x82: {  	v3 =	vld [tilespmem:$0x80];
	_ =	sdelay $0x4  }
0x83: {  	v3 =	vadd.s32 v1, v3;
	_ =	sdelay $0x4  }
0x84: {  	[tilespmem:v3+s13+$0x0] =	vst.idx.add.f32.msk $0x3, v2  }
0x85: {  	[tilespmem:v3+s13+$0x0] =	vst.idx.add.f32.msk vm0, v2  }
0x86: {  	[tilespmem:v3+s13+$0x0] =	vst.idx.add.f32.msk vm1, v2  }
0x87: {  	[tilespmem:v3+s13+$0x0] =	vst.idx.add.f32.msk vm2, v2  }
0x88: {  	[tilespmem:v3+s13+$0x0] =	vst.idx.add.f32.msk vm3, v2  }
0x89: {  	[tilespmem:v3+s13+$0x0] =	vst.idx.add.f32.msk vm4, v2  }
0x8a: {  	[tilespmem:v3+s13+$0x0] =	vst.idx.add.f32.msk vm5, v2  }
0x8b: {  	[tilespmem:v3+s13+$0x0] =	vst.idx.add.f32.msk vm6, v2  }
0x8c: {  	v3 =	vld [tilespmem:$0x90];
	_ =	sdelay $0x4  }
0x8d: {  	v3 =	vadd.s32 v1, v3;
	_ =	sdelay $0x4  }
0x8e: {  	[tilespmem:v3+s13+$0x0] =	vst.idx.add.f32.msk $0x3, v2  }
0x8f: {  	[tilespmem:v3+s13+$0x0] =	vst.idx.add.f32.msk vm0, v2  }
0x90: {  	[tilespmem:v3+s13+$0x0] =	vst.idx.add.f32.msk vm1, v2  }
0x91: {  	[tilespmem:v3+s13+$0x0] =	vst.idx.add.f32.msk vm2, v2  }
0x92: {  	[tilespmem:v3+s13+$0x0] =	vst.idx.add.f32.msk vm3, v2  }
0x93: {  	[tilespmem:v3+s13+$0x0] =	vst.idx.add.f32.msk vm4, v2  }
0x94: {  	[tilespmem:v3+s13+$0x0] =	vst.idx.add.f32.msk vm5, v2  }
0x95: {  	[tilespmem:v3+s13+$0x0] =	vst.idx.add.f32.msk vm6, v2  }
0x96: {  	v3 =	vld [tilespmem:$0xA0];
	_ =	sdelay $0x4  }
0x97: {  	v3 =	vadd.s32 v1, v3;
	_ =	sdelay $0x4  }
0x98: {  	[tilespmem:v3+s13+$0x0] =	vst.idx.add.f32.msk $0x3, v2  }
0x99: {  	[tilespmem:v3+s13+$0x0] =	vst.idx.add.f32.msk vm0, v2  }
0x9a: {  	[tilespmem:v3+s13+$0x0] =	vst.idx.add.f32.msk vm1, v2  }
0x9b: {  	[tilespmem:v3+s13+$0x0] =	vst.idx.add.f32.msk vm2, v2  }
0x9c: {  	[tilespmem:v3+s13+$0x0] =	vst.idx.add.f32.msk vm3, v2  }
0x9d: {  	[tilespmem:v3+s13+$0x0] =	vst.idx.add.f32.msk vm4, v2  }
0x9e: {  	[tilespmem:v3+s13+$0x0] =	vst.idx.add.f32.msk vm5, v2  }
0x9f: {  	[tilespmem:v3+s13+$0x0] =	vst.idx.add.f32.msk vm6, v2  }
0xa0: {  	v3 =	vld [tilespmem:$0xB0];
	_ =	sdelay $0x4  }
0xa1: {  	v3 =	vadd.s32 v1, v3;
	_ =	sdelay $0x4  }
0xa2: {  	[tilespmem:v3+s13+$0x0] =	vst.idx.add.f32.msk $0x3, v2  }
0xa3: {  	[tilespmem:v3+s13+$0x0] =	vst.idx.add.f32.msk vm0, v2  }
0xa4: {  	[tilespmem:v3+s13+$0x0] =	vst.idx.add.f32.msk vm1, v2  }
0xa5: {  	[tilespmem:v3+s13+$0x0] =	vst.idx.add.f32.msk vm2, v2  }
0xa6: {  	[tilespmem:v3+s13+$0x0] =	vst.idx.add.f32.msk vm3, v2  }
0xa7: {  	[tilespmem:v3+s13+$0x0] =	vst.idx.add.f32.msk vm4, v2  }
0xa8: {  	[tilespmem:v3+s13+$0x0] =	vst.idx.add.f32.msk vm5, v2  }
0xa9: {  	[tilespmem:v3+s13+$0x0] =	vst.idx.add.f32.msk vm6, v2  }
0xaa: {  	v3 =	vld [tilespmem:$0xC0];
	_ =	sdelay $0x4  }
0xab: {  	v3 =	vadd.s32 v1, v3;
	_ =	sdelay $0x4  }
0xac: {  	[tilespmem:v3+s13+$0x0] =	vst.idx.add.f32.msk $0x3, v2  }
0xad: {  	[tilespmem:v3+s13+$0x0] =	vst.idx.add.f32.msk vm0, v2  }
0xae: {  	[tilespmem:v3+s13+$0x0] =	vst.idx.add.f32.msk vm1, v2  }
0xaf: {  	[tilespmem:v3+s13+$0x0] =	vst.idx.add.f32.msk vm2, v2  }
0xb0: {  	[tilespmem:v3+s13+$0x0] =	vst.idx.add.f32.msk vm3, v2  }
0xb1: {  	[tilespmem:v3+s13+$0x0] =	vst.idx.add.f32.msk vm4, v2  }
0xb2: {  	[tilespmem:v3+s13+$0x0] =	vst.idx.add.f32.msk vm5, v2  }
0xb3: {  	[tilespmem:v3+s13+$0x0] =	vst.idx.add.f32.msk vm6, v2  }
0xb4: {  	v3 =	vld [tilespmem:$0xD0];
	_ =	sdelay $0x4  }
0xb5: {  	v3 =	vadd.s32 v1, v3;
	_ =	sdelay $0x4  }
0xb6: {  	[tilespmem:v3+s13+$0x0] =	vst.idx.add.f32.msk $0x3, v2  }
0xb7: {  	[tilespmem:v3+s13+$0x0] =	vst.idx.add.f32.msk vm0, v2  }
0xb8: {  	[tilespmem:v3+s13+$0x0] =	vst.idx.add.f32.msk vm1, v2  }
0xb9: {  	[tilespmem:v3+s13+$0x0] =	vst.idx.add.f32.msk vm2, v2  }
0xba: {  	[tilespmem:v3+s13+$0x0] =	vst.idx.add.f32.msk vm3, v2  }
0xbb: {  	[tilespmem:v3+s13+$0x0] =	vst.idx.add.f32.msk vm4, v2  }
0xbc: {  	[tilespmem:v3+s13+$0x0] =	vst.idx.add.f32.msk vm5, v2  }
0xbd: {  	[tilespmem:v3+s13+$0x0] =	vst.idx.add.f32.msk vm6, v2  }
0xbe: {  	v3 =	vld [tilespmem:$0xE0];
	_ =	sdelay $0x4  }
0xbf: {  	v3 =	vadd.s32 v1, v3;
	_ =	sdelay $0x4  }
0xc0: {  	[tilespmem:v3+s13+$0x0] =	vst.idx.add.f32.msk $0x3, v2  }
0xc1: {  	[tilespmem:v3+s13+$0x0] =	vst.idx.add.f32.msk vm0, v2  }
0xc2: {  	[tilespmem:v3+s13+$0x0] =	vst.idx.add.f32.msk vm1, v2  }
0xc3: {  	[tilespmem:v3+s13+$0x0] =	vst.idx.add.f32.msk vm2, v2  }
0xc4: {  	[tilespmem:v3+s13+$0x0] =	vst.idx.add.f32.msk vm3, v2  }
0xc5: {  	[tilespmem:v3+s13+$0x0] =	vst.idx.add.f32.msk vm4, v2  }
0xc6: {  	[tilespmem:v3+s13+$0x0] =	vst.idx.add.f32.msk vm5, v2  }
0xc7: {  	[tilespmem:v3+s13+$0x0] =	vst.idx.add.f32.msk vm6, v2  }
0xc8: {  	v3 =	vld [tilespmem:$0xF0];
	_ =	sdelay $0x4  }
0xc9: {  	v3 =	vadd.s32 v1, v3;
	_ =	sdelay $0x4  }
0xca: {  	[tilespmem:v3+s13+$0x0] =	vst.idx.add.f32.msk $0x3, v2  }
0xcb: {  	[tilespmem:v3+s13+$0x0] =	vst.idx.add.f32.msk vm0, v2  }
0xcc: {  	[tilespmem:v3+s13+$0x0] =	vst.idx.add.f32.msk vm1, v2  }
0xcd: {  	[tilespmem:v3+s13+$0x0] =	vst.idx.add.f32.msk vm2, v2  }
0xce: {  	[tilespmem:v3+s13+$0x0] =	vst.idx.add.f32.msk vm3, v2  }
0xcf: {  	[tilespmem:v3+s13+$0x0] =	vst.idx.add.f32.msk vm4, v2  }
0xd0: {  	[tilespmem:v3+s13+$0x0] =	vst.idx.add.f32.msk vm5, v2  }
0xd1: {  	s15 =	simm.s32 $0x0;
	[tilespmem:v3+s13+$0x0] =	vst.idx.add.f32.msk vm6, v2  }
0xd2: {  	v10 =	vld [tilespmem:s15+$0x6100]  }
0xd3: {  	v14 =	vld [tilespmem:s15+$0x6110]  }
0xd4: {  	v8 =	vld [tilespmem:s15+$0x6120]  }
0xd5: {  	v7 =	vld [tilespmem:s15+$0x6130]  }
0xd6: {  	v6 =	vld [tilespmem:s15+$0x6140]  }
0xd7: {  	v5 =	vld [tilespmem:s15+$0x6150]  }
0xd8: {  	v4 =	vld [tilespmem:s15+$0x6160]  }
0xd9: {  	v3 =	vld [tilespmem:s15+$0x6170]  }
0xda: {  	v15 =	vld [tilespmem:s15+$0x4100]  }
0xdb: {  	v16 =	vld [tilespmem:s15+$0x4110]  }
0xdc: {  	v13 =	vld [tilespmem:s15+$0x4120]  }
0xdd: {  	v12 =	vld [tilespmem:s15+$0x4130]  }
0xde: {  	v11 =	vld [tilespmem:s15+$0x4140]  }
0xdf: {  	v9 =	vld [tilespmem:s15+$0x4150];
	v15 =	vadd.f32 v10, v15  }
0xe0: {  	s16 =	simm.s32 $0x200;
	v14 =	vadd.f32 v14, v16;
	v10 =	vld [tilespmem:s15+$0x4160]  }
.LBB2_4:
0xe1: {  	s17 =	sshra.s32 s16, $0x2;
	p0 =	sne.s32 s16, $0x7E00;
	[tilespmem:s15+$0x4100] =	vst v15;
	v8 =	vadd.f32 v8, v13;
	v13 =	vld [tilespmem:s15+$0x4170]  }
0xe2: {  	v15 =	vld [tilespmem:s17+$0x6100];
	[tilespmem:s15+$0x4110] =	vst v14;
	v7 =	vadd.f32 v7, v12  }
0xe3: {  	v14 =	vld [tilespmem:s17+$0x6110];
	[tilespmem:s15+$0x4120] =	vst v8;
	v6 =	vadd.f32 v6, v11  }
0xe4: {  	v8 =	vld [tilespmem:s17+$0x6120];
	[tilespmem:s15+$0x4130] =	vst v7;
	v5 =	vadd.f32 v5, v9  }
0xe5: {  	v7 =	vld [tilespmem:s17+$0x6130];
	[tilespmem:s15+$0x4140] =	vst v6;
	v4 =	vadd.f32 v4, v10  }
0xe6: {  	v6 =	vld [tilespmem:s17+$0x6140];
	[tilespmem:s15+$0x4150] =	vst v5;
	v3 =	vadd.f32 v3, v13  }
0xe7: {  	v5 =	vld [tilespmem:s17+$0x6150];
	[tilespmem:s15+$0x4160] =	vst v4  }
0xe8: {  	v4 =	vld [tilespmem:s17+$0x6160];
	[tilespmem:s15+$0x4170] =	vst v3;
	s15 =	smov.u32 s17  }
0xe9: {  	v3 =	vld [tilespmem:s15+$0x6170]  }
0xea: {  	v9 =	vld [tilespmem:s15+$0x4100]  }
0xeb: {  	v10 =	vld [tilespmem:s15+$0x4110]  }
.Ltmp1:
0xec: {  	v13 =	vld [tilespmem:s15+$0x4120];
	(pc) =	sbr.rel @p0 .LBB2_4-.Ltmp1, $4  }
0xed: {  	v12 =	vld [tilespmem:s15+$0x4130]  }
0xee: {  	v11 =	vld [tilespmem:s15+$0x4140]  }
0xef: {  	v15 =	vadd.f32 v15, v9;
	v9 =	vld [tilespmem:s15+$0x4150]  }
0xf0: {  	s16 =	sadd.s32 $0x200, s16;
	v14 =	vadd.f32 v14, v10;
	v10 =	vld [tilespmem:s15+$0x4160]  }
0xf1: {  	[tilespmem:s15+$0x4100] =	vst v15;
	v8 =	vadd.f32 v8, v13;
	v63 =	vld [tilespmem:s15+$0x4170]  }
0xf2: {  	[tilespmem:s15+$0x4110] =	vst v14;
	v7 =	vadd.f32 v7, v12  }
0xf3: {  	[tilespmem:s15+$0x4120] =	vst v8;
	v6 =	vadd.f32 v6, v11  }
0xf4: {  	[tilespmem:s15+$0x4130] =	vst v7;
	v5 =	vadd.f32 v5, v9  }
0xf5: {  	[tilespmem:s15+$0x4140] =	vst v6;
	v4 =	vadd.f32 v4, v10  }
0xf6: {  	s14 =	sadd.s32 $0x1, s14;
	[tilespmem:s15+$0x4150] =	vst v5;
	v3 =	vadd.f32 v3, v63  }
0xf7: {  	p0 =	sne.s32 s14, s8;
	[tilespmem:s15+$0x4160] =	vst v4  }
.Ltmp2:
0xf8: {  	[tilespmem:s15+$0x4170] =	vst v3;
	(pc) =	sbr.rel @p0 .LBB2_1-.Ltmp2, $4  }
0xf9: {  	[hbm4b:s7+s2] =	stream.linear.scatter [tilespmem:s13], [sflag:$0x2], $0x2000, $0x38;
	[tilespmem:$0x8100] =	vst v63  }
0xfa: {  	_ =	swait.ge [sflag:s9], $0x2000  }
0xfb: {  	[sflag:s9] =	ssyncset.done $0x0  }
0xfc: {  	[sflag:s9] =	ssyncadd.s32 $0xFFFFE000  }
0xfd: {  	_ =	sfence.sel $0x180000  }
0xfe: {  	[bflag:$0x0] =	sbarrier.arrive $0xFFFF  }
0xff: {  	p0 =	sne.s32 s1, $0x0;
	_ =	strace $0x90000047  }
0x100: {  	s0 =	sadd.s32 @!p0 $0x100000, s0;
	[bflag:$0x2] =	sbarrier.arrive $0xFFFF  }
0x101: {  	[sflag:s0] =	ssyncadd.tile.s32 @!p0 $0x1;
	_ =	shalt  }
.Lfunc_end2:
_tile_overlayer_lowered:
.L_overlay_start_2:
0x102: {  	(tag) =	ssettag $0x2  }
0x103: {  	s0 =	rddreg [dreg:$0x0];
	s2 =	stileid.u32  }
0x104: {  	s1 =	rddreg [dreg:$0x1];
	p0 =	sne.s32 s2, $0x0  }
0x105: {  	s3 =	rddreg [dreg:$0x2];
	[bflag:$0x3] =	sbarrier.arrive $0xFFFF;
	s2 =	simm.s32 @!p0 $0x1C02  }
0x106: {  	[timem:s3], [sflag:s2] =	dma.local @!p0 [hbm:s0], s1  }
0x107: {  	s0 =	simm.s32 @!p0 $0x2  }
0x108: {  	_ =	swait.ge @!p0 [sflag:s0], s1  }
0x109: {  	s1 =	ssub.s32 @!p0 $0x0, s1;
	[sflag:s0] =	ssyncset.done @!p0 $0x0  }
0x10a: {  	[sflag:s0] =	ssyncadd.s32 @!p0 s1  }
0x10b: {  	[bflag:$0x3] =	sbarrier.arrive $0xFFFF  }
0x10c: {  	_ =	shalt  }

</sc_bundles>
